<compile_context>
chip_gen: v7x
topology: tpu7x:2x2x1
jax: 0.10.2.dev20260603
libtpu: 0.0.44.dev20260713+nightly
codegen_flags: <defaults>
</compile_context>

<pallas_src>
import jax
import jax.numpy as jnp
from jax import lax
from jax.experimental import pallas as pl
from jax.experimental.pallas import tpu as pltpu
from jax.experimental.pallas import tpu_sc as plsc

N = 10000
D = 128
E = 320000

NC = 2
NS = 16
NW = NC * NS

CHUNK = 80
EDGES_PER_TILE = E // NW
CHUNKS_PER_TILE = EDGES_PER_TILE // CHUNK

NPAD = 10240
HALF = NPAD // 2
HPAD = 5136
ROWS_PER_TILE = HALF // NS

ZROWS = 40

ROW_BLK = 1024


def _layer_norm(x, g, b, eps=1e-5):
    mu = jnp.mean(x, axis=-1, keepdims=True)
    var = jnp.mean((x - mu) ** 2, axis=-1, keepdims=True)
    return (x - mu) / jnp.sqrt(var + eps) * g + b


def _gelu(x):
    return 0.5 * x * (1.0 + lax.erf(x * (2.0 ** -0.5)))



def _prologue_body(nf_ref, g_ref, b_ref, h_ref):
    h_ref[...] = _gelu(_layer_norm(nf_ref[...], g_ref[...], b_ref[...]))


def _prologue(node_feat, g, b):
    grid = pl.cdiv(N, ROW_BLK)
    return pl.pallas_call(
        _prologue_body,
        grid=(grid,),
        in_specs=[
            pl.BlockSpec((ROW_BLK, D), lambda i: (i, 0)),
            pl.BlockSpec((1, D), lambda i: (0, 0)),
            pl.BlockSpec((1, D), lambda i: (0, 0)),
        ],
        out_specs=pl.BlockSpec((ROW_BLK, D), lambda i: (i, 0)),
        out_shape=jax.ShapeDtypeStruct((N, D), jnp.float32),
    )(node_feat, g.reshape(1, D), b.reshape(1, D))



def _make_sc_body(half_k):
    base = half_k * HALF

    def _sc_body(h_hbm, src_hbm, dst_hbm, sums_out,
                 src_v, dst_v, rows_a, rows_b, zrow_v,
                 sem_a, sem_b, shared_sums):
        c = lax.axis_index("c")
        s = lax.axis_index("s")
        wid = s * NC + c

        def zfill(i, _):
            for j in range(D // 16):
                zrow_v[i, pl.ds(j * 16, 16)] = jnp.zeros((16,), jnp.float32)
            return 0
        lax.fori_loop(0, ZROWS, zfill, 0)



        r0 = s * ROWS_PER_TILE

        def zcopy(q, _):
            pltpu.sync_copy(zrow_v, shared_sums.at[pl.ds(r0 + q * ZROWS, ZROWS)])
            return 0
        lax.fori_loop(0, ROWS_PER_TILE // ZROWS, zcopy, 0)

        @pl.when(s == 0)
        def _():
            pltpu.sync_copy(zrow_v.at[pl.ds(0, 16)],
                            shared_sums.at[pl.ds(HALF, 16)])

        pltpu.sync_copy(src_hbm.at[wid], src_v)
        pltpu.sync_copy(dst_hbm.at[wid], dst_v)

        trash = HALF + s

        def rebase(r, _):
            for kk in range(CHUNK // 16):
                d = dst_v[r, pl.ds(kk * 16, 16)]
                d2 = d - base
                inr = (d2 >= 0) & (d2 < HALF)
                dst_v[r, pl.ds(kk * 16, 16)] = jnp.where(inr, d2, trash)
            return 0
        lax.fori_loop(0, CHUNKS_PER_TILE, rebase, 0)

        plsc.subcore_barrier()

        def drain_a():
            pltpu.make_async_copy(h_hbm.at[pl.ds(0, CHUNK)], rows_a, sem_a).wait()

        def drain_b():
            pltpu.make_async_copy(h_hbm.at[pl.ds(0, CHUNK)], rows_b, sem_b).wait()

        pltpu.async_copy(h_hbm.at[src_v.at[0]], rows_a, sem_a)

        def pipe2(i, _):
            j0 = 2 * i
            drain_a()
            pltpu.async_copy(h_hbm.at[src_v.at[j0 + 1]], rows_b, sem_b)
            pltpu.sync_copy(rows_a, shared_sums.at[dst_v.at[j0]], add=True)
            drain_b()

            @pl.when(j0 + 2 < CHUNKS_PER_TILE)
            def _():
                pltpu.async_copy(h_hbm.at[src_v.at[j0 + 2]], rows_a, sem_a)

            pltpu.sync_copy(rows_b, shared_sums.at[dst_v.at[j0 + 1]], add=True)
            return 0
        lax.fori_loop(0, (CHUNKS_PER_TILE - 1) // 2, pipe2, 0)

        j_last = CHUNKS_PER_TILE - 1
        drain_a()
        pltpu.sync_copy(rows_a, shared_sums.at[dst_v.at[j_last]], add=True)

        plsc.subcore_barrier()

        pltpu.sync_copy(shared_sums.at[pl.ds(r0, ROWS_PER_TILE)],
                        sums_out.at[c, pl.ds(r0, ROWS_PER_TILE)])

    return _sc_body


def _sc_half_call(half_k):
    mesh = plsc.VectorSubcoreMesh(core_axis_name="c", subcore_axis_name="s")
    return pl.kernel(
        _make_sc_body(half_k),
        out_type=jax.ShapeDtypeStruct((NC, HALF, D), jnp.float32),
        mesh=mesh,
        scratch_types=[
            pltpu.VMEM((CHUNKS_PER_TILE, CHUNK), jnp.int32),
            pltpu.VMEM((CHUNKS_PER_TILE, CHUNK), jnp.int32),
            pltpu.VMEM((CHUNK, D), jnp.float32),
            pltpu.VMEM((CHUNK, D), jnp.float32),
            pltpu.VMEM((ZROWS, D), jnp.float32),
            pltpu.SemaphoreType.DMA,
            pltpu.SemaphoreType.DMA,
            pltpu.VMEM_SHARED((HPAD, D), jnp.float32),
        ],
        compiler_params=pltpu.CompilerParams(needs_layout_passes=False),
    )


def _sc_counts_body(dst_hbm, cnt_out, dst_v, cnt_v):
    c = lax.axis_index("c")
    s = lax.axis_index("s")
    wid = s * NC + c

    pltpu.sync_copy(dst_hbm.at[wid], dst_v)

    def czero(i, _):
        cnt_v[pl.ds(i * 16, 16)] = jnp.zeros((16,), jnp.float32)
        return 0
    lax.fori_loop(0, NPAD // 16, czero, 0)

    ones16 = jnp.ones((16,), jnp.float32)

    def crow(j, _):
        for k in range(CHUNK // 16):
            idx16 = dst_v[j, pl.ds(k * 16, 16)]
            plsc.addupdate_scatter(cnt_v, [idx16], ones16)
        return 0
    lax.fori_loop(0, CHUNKS_PER_TILE, crow, 0)

    pltpu.sync_copy(cnt_v, cnt_out.at[wid])


def _sc_counts_call():
    mesh = plsc.VectorSubcoreMesh(core_axis_name="c", subcore_axis_name="s")
    return pl.kernel(
        _sc_counts_body,
        out_type=jax.ShapeDtypeStruct((NW, NPAD), jnp.float32),
        mesh=mesh,
        scratch_types=[
            pltpu.VMEM((CHUNKS_PER_TILE, CHUNK), jnp.int32),
            pltpu.VMEM((NPAD,), jnp.float32),
        ],
        compiler_params=pltpu.CompilerParams(needs_layout_passes=False),
    )


@jax.jit
def _sc_segment(h, src3d, dst3d):
    cnt_p = _sc_counts_call()(dst3d)
    sums_parts = []
    for half_k in range(2):
        sp = _sc_half_call(half_k)(h, src3d, dst3d)
        sums_parts.append(sp)
    sums_p = jnp.concatenate(sums_parts, axis=1)
    return sums_p, cnt_p



def _epilogue_body(nf_ref, h_ref, sp_ref, cp_ref, wl_ref, bl_ref, wr_ref,
                   lng_ref, lnb_ref, w1_ref, b1_ref, w2_ref, b2_ref, out_ref):
    nf = nf_ref[...]
    h = h_ref[...]
    sums = sp_ref[0] + sp_ref[1]
    ones_mat = jnp.ones((NW, D), jnp.float32)
    dn0 = (((0,), (0,)), ((), ()))
    cnt = lax.dot_general(cp_ref[...], ones_mat, dn0,
                          preferred_element_type=jnp.float32)
    mean = sums / jnp.maximum(cnt, 1.0)
    dn = (((1,), (1,)), ((), ()))
    conv = (lax.dot_general(mean, wl_ref[...], dn, preferred_element_type=jnp.float32)
            + bl_ref[...]
            + lax.dot_general(h, wr_ref[...], dn, preferred_element_type=jnp.float32))
    cf = nf + conv
    f = _layer_norm(cf, lng_ref[...], lnb_ref[...])
    f = _gelu(lax.dot_general(f, w1_ref[...], dn, preferred_element_type=jnp.float32)
              + b1_ref[...])
    f = _gelu(lax.dot_general(f, w2_ref[...], dn, preferred_element_type=jnp.float32)
              + b2_ref[...])
    out_ref[...] = nf + f


def _epilogue(node_feat, h, sums_p, cnt_p, W_l, b_l, W_r, ln_g, ln_b, W1, b1, W2, b2):
    grid = pl.cdiv(N, ROW_BLK)
    full = lambda shape: pl.BlockSpec(shape, lambda i: tuple(0 for _ in shape))
    return pl.pallas_call(
        _epilogue_body,
        grid=(grid,),
        in_specs=[
            pl.BlockSpec((ROW_BLK, D), lambda i: (i, 0)),
            pl.BlockSpec((ROW_BLK, D), lambda i: (i, 0)),
            pl.BlockSpec((NC, ROW_BLK, D), lambda i: (0, i, 0)),
            pl.BlockSpec((NW, ROW_BLK), lambda i: (0, i)),
            full((D, D)),
            full((1, D)),
            full((D, D)),
            full((1, D)),
            full((1, D)),
            full((4 * D, D)),
            full((1, 4 * D)),
            full((D, 4 * D)),
            full((1, D)),
        ],
        out_specs=pl.BlockSpec((ROW_BLK, D), lambda i: (i, 0)),
        out_shape=jax.ShapeDtypeStruct((N, D), jnp.float32),
    )(node_feat, h, sums_p, cnt_p, W_l, b_l.reshape(1, D), W_r,
      ln_g.reshape(1, D), ln_b.reshape(1, D), W1, b1.reshape(1, 4 * D),
      W2, b2.reshape(1, D))


def kernel(node_feat, edge_index, layer_idx, norm1_g, norm1_b, W_l, b_l, W_r,
           ln_g, ln_b, W1, b1, W2, b2):
    h = _prologue(node_feat, norm1_g, norm1_b)
    src3d = edge_index[0].reshape(NW, CHUNKS_PER_TILE, CHUNK)
    dst3d = edge_index[1].reshape(NW, CHUNKS_PER_TILE, CHUNK)
    sums_p, cnt_p = _sc_segment(h, src3d, dst3d)
    return _epilogue(node_feat, h, sums_p, cnt_p, W_l, b_l, W_r,
                     ln_g, ln_b, W1, b1, W2, b2)

# --- scband reference (transcript-rebuilt; emitter-appended) ---
"""Pipeline reference for scband-graph-component-79456894976528 (READ-ONLY COPY).

The authoritative reference and input builder live on the scoring server;
editing this copy changes nothing except your own understanding.
"""

import jax, jax.numpy as jnp
import numpy as np

N = 10000
D = 128
E = 320000

def _layer_norm(x, g, b, eps=1e-5):
    mu = jnp.mean(x, axis=-1, keepdims=True)
    var = jnp.mean((x - mu) ** 2, axis=-1, keepdims=True)
    return (x - mu) / jnp.sqrt(var + eps) * g + b

def setup_inputs(seed: int = 0):
    key = jax.random.key(seed)
    ks = jax.random.split(key, 10)
    s = 1.0 / np.sqrt(D)
    s2 = 1.0 / np.sqrt(4 * D)
    return {
        "node_feat": jax.random.normal(ks[0], (N, D), dtype=jnp.float32),
        "edge_index": jax.random.randint(ks[1], (2, E), 0, N, dtype=jnp.int32),
        "layer_idx": 0,
        "norm1_g": jnp.ones((D,), jnp.float32),
        "norm1_b": jnp.zeros((D,), jnp.float32),
        "W_l": jax.random.uniform(ks[2], (D, D), jnp.float32, -s, s),
        "b_l": jax.random.uniform(ks[3], (D,), jnp.float32, -s, s),
        "W_r": jax.random.uniform(ks[4], (D, D), jnp.float32, -s, s),
        "ln_g": jnp.ones((D,), jnp.float32),
        "ln_b": jnp.zeros((D,), jnp.float32),
        "W1": jax.random.uniform(ks[5], (4 * D, D), jnp.float32, -s, s),
        "b1": jax.random.uniform(ks[6], (4 * D,), jnp.float32, -s, s),
        "W2": jax.random.uniform(ks[7], (D, 4 * D), jnp.float32, -s2, s2),
        "b2": jax.random.uniform(ks[8], (D,), jnp.float32, -s2, s2),
    }

def reference(node_feat, edge_index, layer_idx, norm1_g, norm1_b, W_l, b_l, W_r, ln_g, ln_b, W1, b1, W2, b2):
    n = node_feat.shape[0]
    # DeepGCNLayer block='res+': norm -> act -> (dropout=0) -> conv -> residual
    h = _layer_norm(node_feat, norm1_g, norm1_b)
    h = jax.nn.gelu(h, approximate=False)
    src = edge_index[0]
    dst = edge_index[1]
    # SAGEConv with mean aggregation: out = lin_l(mean_j x_j) + lin_r(x_i)
    msgs = jnp.take(h, src, axis=0)
    sums = jax.ops.segment_sum(msgs, dst, num_segments=n)
    cnt = jax.ops.segment_sum(jnp.ones((msgs.shape[0], 1), h.dtype), dst, num_segments=n)
    mean = sums / jnp.maximum(cnt, 1.0)
    conv = mean @ W_l.T + b_l + h @ W_r.T
    conv_feat = node_feat + conv
    # FFN: LN -> Linear(D,4D) -> GELU -> Linear(4D,D) -> GELU, residual from node_feat
    f = _layer_norm(conv_feat, ln_g, ln_b)
    f = jax.nn.gelu(f @ W1.T + b1, approximate=False)
    f = jax.nn.gelu(f @ W2.T + b2, approximate=False)
    return node_feat + f

if __name__ == "__main__":
    import jax
    _d = setup_inputs()
    print(jax.jit(kernel)(*tuple(_d.values())))

</pallas_src>

<mosaic_0001>
#map = affine_map<(d0, d1) -> (0, 0)>
#map1 = affine_map<(d0, d1) -> (0, 0, 0)>
module attributes {stable_mosaic.version = 14 : i64} {
  func.func @_sc_body(%arg0: i32, %arg1: i32, %arg2: memref<10000x128xf32, #tpu.memory_space<hbm>>, %arg3: memref<32x125x80xi32, #tpu.memory_space<hbm>>, %arg4: memref<32x125x80xi32, #tpu.memory_space<hbm>>, %arg5: memref<2x5120x128xf32, #tpu.memory_space<hbm>>, %arg6: memref<125x80xi32, #tpu.memory_space<vmem>>, %arg7: memref<125x80xi32, #tpu.memory_space<vmem>>, %arg8: memref<80x128xf32, #tpu.memory_space<vmem>>, %arg9: memref<80x128xf32, #tpu.memory_space<vmem>>, %arg10: memref<40x128xf32, #tpu.memory_space<vmem>>, %arg11: memref<!tpu.dma_semaphore, #tpu.memory_space<semaphore_mem>>, %arg12: memref<!tpu.dma_semaphore, #tpu.memory_space<semaphore_mem>>, %arg13: memref<5136x128xf32, #tpu.memory_space<vmem_shared>>) attributes {dimension_semantics = [#tpu.dimension_semantics<core_parallel>, #tpu.dimension_semantics<subcore_parallel>], iteration_bounds = array<i64: 2, 16>, scalar_prefetch = 0 : i64, scratch_operands = 8 : i64, tpu.core_type = #tpu.core_type<sc_vector_subcore>, window_params = [{transform_indices = #map}, {transform_indices = #map1}, {transform_indices = #map1}, {transform_indices = #map1}]} {
    %mul3A = arith.constant 2 : i32
    %mul3A_0 = arith.muli %arg1, %mul3A : i32
    %add3A = arith.addi %mul3A_0, %arg0 : i32
    %scan3A = arith.constant 0 : i32
    %scan3A_1 = arith.constant 0 : i32
    %scan3A_2 = arith.constant 40 : i32
    %scan3A_3 = arith.addi %scan3A_1, %scan3A_2 : i32
    %scan3A_4 = arith.constant 1 : i32
    %scan3A_5 = scf.for %scan3A_46 = %scan3A_1 to %scan3A_3 step %scan3A_4 iter_args(%scan3A_47 = %scan3A) -> (i32)  : i32 {
      %broadcast_in_dim3A = arith.constant 0.000000e+00 : f32
      %broadcast_in_dim3A_48 = vector.broadcast %broadcast_in_dim3A : f32 to vector<16xf32>
      %swap3A = arith.index_cast %scan3A_46 : i32 to index
      %swap3A_49 = arith.constant 0 : index
      %swap3A_50 = tpu.vector_load %arg10[%swap3A, %swap3A_49] {strides = array<i32>} : memref<40x128xf32, #tpu.memory_space<vmem>>, vector<16xf32>,
      tpu.vector_store %arg10[%swap3A, %swap3A_49], %broadcast_in_dim3A_48 {strides = array<i32>} : memref<40x128xf32, #tpu.memory_space<vmem>>, vector<16xf32>,
      %broadcast_in_dim3A_51 = arith.constant 0.000000e+00 : f32
      %broadcast_in_dim3A_52 = vector.broadcast %broadcast_in_dim3A_51 : f32 to vector<16xf32>
      %swap3A_53 = arith.index_cast %scan3A_46 : i32 to index
      %swap3A_54 = arith.constant 16 : index
      %swap3A_55 = tpu.vector_load %arg10[%swap3A_53, %swap3A_54] {strides = array<i32>} : memref<40x128xf32, #tpu.memory_space<vmem>>, vector<16xf32>,
      tpu.vector_store %arg10[%swap3A_53, %swap3A_54], %broadcast_in_dim3A_52 {strides = array<i32>} : memref<40x128xf32, #tpu.memory_space<vmem>>, vector<16xf32>,
      %broadcast_in_dim3A_56 = arith.constant 0.000000e+00 : f32
      %broadcast_in_dim3A_57 = vector.broadcast %broadcast_in_dim3A_56 : f32 to vector<16xf32>
      %swap3A_58 = arith.index_cast %scan3A_46 : i32 to index
      %swap3A_59 = arith.constant 32 : index
      %swap3A_60 = tpu.vector_load %arg10[%swap3A_58, %swap3A_59] {strides = array<i32>} : memref<40x128xf32, #tpu.memory_space<vmem>>, vector<16xf32>,
      tpu.vector_store %arg10[%swap3A_58, %swap3A_59], %broadcast_in_dim3A_57 {strides = array<i32>} : memref<40x128xf32, #tpu.memory_space<vmem>>, vector<16xf32>,
      %broadcast_in_dim3A_61 = arith.constant 0.000000e+00 : f32
      %broadcast_in_dim3A_62 = vector.broadcast %broadcast_in_dim3A_61 : f32 to vector<16xf32>
      %swap3A_63 = arith.index_cast %scan3A_46 : i32 to index
      %swap3A_64 = arith.constant 48 : index
      %swap3A_65 = tpu.vector_load %arg10[%swap3A_63, %swap3A_64] {strides = array<i32>} : memref<40x128xf32, #tpu.memory_space<vmem>>, vector<16xf32>,
      tpu.vector_store %arg10[%swap3A_63, %swap3A_64], %broadcast_in_dim3A_62 {strides = array<i32>} : memref<40x128xf32, #tpu.memory_space<vmem>>, vector<16xf32>,
      %broadcast_in_dim3A_66 = arith.constant 0.000000e+00 : f32
      %broadcast_in_dim3A_67 = vector.broadcast %broadcast_in_dim3A_66 : f32 to vector<16xf32>
      %swap3A_68 = arith.index_cast %scan3A_46 : i32 to index
      %swap3A_69 = arith.constant 64 : index
      %swap3A_70 = tpu.vector_load %arg10[%swap3A_68, %swap3A_69] {strides = array<i32>} : memref<40x128xf32, #tpu.memory_space<vmem>>, vector<16xf32>,
      tpu.vector_store %arg10[%swap3A_68, %swap3A_69], %broadcast_in_dim3A_67 {strides = array<i32>} : memref<40x128xf32, #tpu.memory_space<vmem>>, vector<16xf32>,
      %broadcast_in_dim3A_71 = arith.constant 0.000000e+00 : f32
      %broadcast_in_dim3A_72 = vector.broadcast %broadcast_in_dim3A_71 : f32 to vector<16xf32>
      %swap3A_73 = arith.index_cast %scan3A_46 : i32 to index
      %swap3A_74 = arith.constant 80 : index
      %swap3A_75 = tpu.vector_load %arg10[%swap3A_73, %swap3A_74] {strides = array<i32>} : memref<40x128xf32, #tpu.memory_space<vmem>>, vector<16xf32>,
      tpu.vector_store %arg10[%swap3A_73, %swap3A_74], %broadcast_in_dim3A_72 {strides = array<i32>} : memref<40x128xf32, #tpu.memory_space<vmem>>, vector<16xf32>,
      %broadcast_in_dim3A_76 = arith.constant 0.000000e+00 : f32
      %broadcast_in_dim3A_77 = vector.broadcast %broadcast_in_dim3A_76 : f32 to vector<16xf32>
      %swap3A_78 = arith.index_cast %scan3A_46 : i32 to index
      %swap3A_79 = arith.constant 96 : index
      %swap3A_80 = tpu.vector_load %arg10[%swap3A_78, %swap3A_79] {strides = array<i32>} : memref<40x128xf32, #tpu.memory_space<vmem>>, vector<16xf32>,
      tpu.vector_store %arg10[%swap3A_78, %swap3A_79], %broadcast_in_dim3A_77 {strides = array<i32>} : memref<40x128xf32, #tpu.memory_space<vmem>>, vector<16xf32>,
      %broadcast_in_dim3A_81 = arith.constant 0.000000e+00 : f32
      %broadcast_in_dim3A_82 = vector.broadcast %broadcast_in_dim3A_81 : f32 to vector<16xf32>
      %swap3A_83 = arith.index_cast %scan3A_46 : i32 to index
      %swap3A_84 = arith.constant 112 : index
      %swap3A_85 = tpu.vector_load %arg10[%swap3A_83, %swap3A_84] {strides = array<i32>} : memref<40x128xf32, #tpu.memory_space<vmem>>, vector<16xf32>,
      tpu.vector_store %arg10[%swap3A_83, %swap3A_84], %broadcast_in_dim3A_82 {strides = array<i32>} : memref<40x128xf32, #tpu.memory_space<vmem>>, vector<16xf32>,
      %scan3A_86 = arith.constant 0 : i32
      scf.yield %scan3A_86 : i32
    }
    %scan3A_6 = arith.constant 40 : i32
    %mul3A_7 = arith.constant 320 : i32
    %mul3A_8 = arith.muli %arg1, %mul3A_7 : i32
    %scan3A_9 = arith.constant 0 : i32
    %scan3A_10 = arith.constant 0 : i32
    %scan3A_11 = arith.constant 8 : i32
    %scan3A_12 = arith.addi %scan3A_10, %scan3A_11 : i32
    %scan3A_13 = arith.constant 1 : i32
    %scan3A_14 = scf.for %scan3A_46 = %scan3A_10 to %scan3A_12 step %scan3A_13 iter_args(%scan3A_47 = %scan3A_9) -> (i32)  : i32 {
      %mul3A_48 = arith.constant 40 : i32
      %mul3A_49 = arith.muli %scan3A_46, %mul3A_48 : i32
      %add3A_50 = arith.addi %mul3A_8, %mul3A_49 : i32
      "tpu.region"() ({
        %run_scoped3A_52 = tpu.sem_alloc : memref<!tpu.dma_semaphore, #tpu.memory_space<semaphore_mem>>
        %dma_start3A_53 = arith.constant 0 : i32
        %dma_start3A_54 = tpu.memref_slice %arg13[%add3A_50, %dma_start3A_53] : memref<5136x128xf32, #tpu.memory_space<vmem_shared>> -> memref<40x128xf32, #tpu.memory_space<vmem_shared>>
        %dma_start3A_55 = arith.constant 0 : i32
        %dma_start3A_56 = tpu.memref_slice %arg13[%add3A_50, %dma_start3A_55] : memref<5136x128xf32, #tpu.memory_space<vmem_shared>> -> memref<40x128xf32, #tpu.memory_space<vmem_shared>>
        tpu.enqueue_dma source(%arg10 : memref<40x128xf32, #tpu.memory_space<vmem>>) target(%dma_start3A_56 : memref<40x128xf32, #tpu.memory_space<vmem_shared>>) target_semaphore(%run_scoped3A_52 : memref<!tpu.dma_semaphore, #tpu.memory_space<semaphore_mem>>)
        %dma_wait3A_57 = arith.constant 0 : i32
        %dma_wait3A_58 = tpu.memref_slice %arg13[%add3A_50, %dma_wait3A_57] : memref<5136x128xf32, #tpu.memory_space<vmem_shared>> -> memref<40x128xf32, #tpu.memory_space<vmem_shared>>
        %dma_wait3A_59 = arith.constant 0 : i32
        %dma_wait3A_60 = tpu.memref_slice %arg13[%add3A_50, %dma_wait3A_59] : memref<5136x128xf32, #tpu.memory_space<vmem_shared>> -> memref<40x128xf32, #tpu.memory_space<vmem_shared>>
        tpu.wait_dma2 semaphore(%run_scoped3A_52 : memref<!tpu.dma_semaphore, #tpu.memory_space<semaphore_mem>>) src(%arg10 : memref<40x128xf32, #tpu.memory_space<vmem>>) dst(%dma_wait3A_60 : memref<40x128xf32, #tpu.memory_space<vmem_shared>>)
        tpu.yield
      }) : () -> ()
      %scan3A_51 = arith.constant 0 : i32
      scf.yield %scan3A_51 : i32
    }
    %scan3A_15 = arith.constant 8 : i32
    %eq3A = arith.constant 0 : i32
    %eq3A_16 = arith.cmpi eq, %arg1, %eq3A : i32
    %convert_element_type3A = arith.extui %eq3A_16 : i1 to i32
    %cond3A = arith.constant 0 : i32
    %cond3A_17 = arith.cmpi ne, %convert_element_type3A, %cond3A : i32
    scf.if %cond3A_17 {
      "tpu.region"() ({
        %run_scoped3A_46 = tpu.sem_alloc : memref<!tpu.dma_semaphore, #tpu.memory_space<semaphore_mem>>
        %dma_start3A_47 = arith.constant 0 : i32
        %dma_start3A_48 = arith.constant 0 : i32
        %dma_start3A_49 = tpu.memref_slice %arg10[%dma_start3A_47, %dma_start3A_48] : memref<40x128xf32, #tpu.memory_space<vmem>> -> memref<16x128xf32, #tpu.memory_space<vmem>>
        %dma_start3A_50 = arith.constant 5120 : i32
        %dma_start3A_51 = arith.constant 0 : i32
        %dma_start3A_52 = tpu.memref_slice %arg13[%dma_start3A_50, %dma_start3A_51] : memref<5136x128xf32, #tpu.memory_space<vmem_shared>> -> memref<16x128xf32, #tpu.memory_space<vmem_shared>>
        %dma_start3A_53 = arith.constant 5120 : i32
        %dma_start3A_54 = arith.constant 0 : i32
        %dma_start3A_55 = tpu.memref_slice %arg13[%dma_start3A_53, %dma_start3A_54] : memref<5136x128xf32, #tpu.memory_space<vmem_shared>> -> memref<16x128xf32, #tpu.memory_space<vmem_shared>>
        %dma_start3A_56 = arith.constant 0 : i32
        %dma_start3A_57 = arith.constant 0 : i32
        %dma_start3A_58 = tpu.memref_slice %arg10[%dma_start3A_56, %dma_start3A_57] : memref<40x128xf32, #tpu.memory_space<vmem>> -> memref<16x128xf32, #tpu.memory_space<vmem>>
        tpu.enqueue_dma source(%dma_start3A_58 : memref<16x128xf32, #tpu.memory_space<vmem>>) target(%dma_start3A_55 : memref<16x128xf32, #tpu.memory_space<vmem_shared>>) target_semaphore(%run_scoped3A_46 : memref<!tpu.dma_semaphore, #tpu.memory_space<semaphore_mem>>)
        %dma_wait3A_59 = arith.constant 0 : i32
        %dma_wait3A_60 = arith.constant 0 : i32
        %dma_wait3A_61 = tpu.memref_slice %arg10[%dma_wait3A_59, %dma_wait3A_60] : memref<40x128xf32, #tpu.memory_space<vmem>> -> memref<16x128xf32, #tpu.memory_space<vmem>>
        %dma_wait3A_62 = arith.constant 5120 : i32
        %dma_wait3A_63 = arith.constant 0 : i32
        %dma_wait3A_64 = tpu.memref_slice %arg13[%dma_wait3A_62, %dma_wait3A_63] : memref<5136x128xf32, #tpu.memory_space<vmem_shared>> -> memref<16x128xf32, #tpu.memory_space<vmem_shared>>
        %dma_wait3A_65 = arith.constant 5120 : i32
        %dma_wait3A_66 = arith.constant 0 : i32
        %dma_wait3A_67 = tpu.memref_slice %arg13[%dma_wait3A_65, %dma_wait3A_66] : memref<5136x128xf32, #tpu.memory_space<vmem_shared>> -> memref<16x128xf32, #tpu.memory_space<vmem_shared>>
        %dma_wait3A_68 = arith.constant 0 : i32
        %dma_wait3A_69 = arith.constant 0 : i32
        %dma_wait3A_70 = tpu.memref_slice %arg10[%dma_wait3A_68, %dma_wait3A_69] : memref<40x128xf32, #tpu.memory_space<vmem>> -> memref<16x128xf32, #tpu.memory_space<vmem>>
        tpu.wait_dma2 semaphore(%run_scoped3A_46 : memref<!tpu.dma_semaphore, #tpu.memory_space<semaphore_mem>>) src(%dma_wait3A_70 : memref<16x128xf32, #tpu.memory_space<vmem>>) dst(%dma_wait3A_67 : memref<16x128xf32, #tpu.memory_space<vmem_shared>>)
        tpu.yield
      }) : () -> ()
    } else {
    }
    "tpu.region"() ({
      %run_scoped3A_46 = tpu.sem_alloc : memref<!tpu.dma_semaphore, #tpu.memory_space<semaphore_mem>>
      %dma_start3A_47 = arith.constant 0 : i32
      %dma_start3A_48 = arith.constant 0 : i32
      %dma_start3A_49 = tpu.memref_slice %arg3[%add3A, %dma_start3A_47, %dma_start3A_48] : memref<32x125x80xi32, #tpu.memory_space<hbm>> -> memref<1x125x80xi32, #tpu.memory_space<hbm>>
      %dma_start3A_50 = tpu.memref_squeeze %dma_start3A_49 : memref<1x125x80xi32, #tpu.memory_space<hbm>> -> memref<125x80xi32, #tpu.memory_space<hbm>>
      %dma_start3A_51 = arith.constant 0 : i32
      %dma_start3A_52 = arith.constant 0 : i32
      %dma_start3A_53 = tpu.memref_slice %arg3[%add3A, %dma_start3A_51, %dma_start3A_52] : memref<32x125x80xi32, #tpu.memory_space<hbm>> -> memref<1x125x80xi32, #tpu.memory_space<hbm>>
      %dma_start3A_54 = tpu.memref_squeeze %dma_start3A_53 : memref<1x125x80xi32, #tpu.memory_space<hbm>> -> memref<125x80xi32, #tpu.memory_space<hbm>>
      tpu.enqueue_dma source(%dma_start3A_54 : memref<125x80xi32, #tpu.memory_space<hbm>>) target(%arg6 : memref<125x80xi32, #tpu.memory_space<vmem>>) target_semaphore(%run_scoped3A_46 : memref<!tpu.dma_semaphore, #tpu.memory_space<semaphore_mem>>)
      %dma_wait3A_55 = arith.constant 0 : i32
      %dma_wait3A_56 = arith.constant 0 : i32
      %dma_wait3A_57 = tpu.memref_slice %arg3[%add3A, %dma_wait3A_55, %dma_wait3A_56] : memref<32x125x80xi32, #tpu.memory_space<hbm>> -> memref<1x125x80xi32, #tpu.memory_space<hbm>>
      %dma_wait3A_58 = tpu.memref_squeeze %dma_wait3A_57 : memref<1x125x80xi32, #tpu.memory_space<hbm>> -> memref<125x80xi32, #tpu.memory_space<hbm>>
      %dma_wait3A_59 = arith.constant 0 : i32
      %dma_wait3A_60 = arith.constant 0 : i32
      %dma_wait3A_61 = tpu.memref_slice %arg3[%add3A, %dma_wait3A_59, %dma_wait3A_60] : memref<32x125x80xi32, #tpu.memory_space<hbm>> -> memref<1x125x80xi32, #tpu.memory_space<hbm>>
      %dma_wait3A_62 = tpu.memref_squeeze %dma_wait3A_61 : memref<1x125x80xi32, #tpu.memory_space<hbm>> -> memref<125x80xi32, #tpu.memory_space<hbm>>
      tpu.wait_dma2 semaphore(%run_scoped3A_46 : memref<!tpu.dma_semaphore, #tpu.memory_space<semaphore_mem>>) src(%dma_wait3A_62 : memref<125x80xi32, #tpu.memory_space<hbm>>) dst(%arg6 : memref<125x80xi32, #tpu.memory_space<vmem>>)
      tpu.yield
    }) : () -> ()
    "tpu.region"() ({
      %run_scoped3A_46 = tpu.sem_alloc : memref<!tpu.dma_semaphore, #tpu.memory_space<semaphore_mem>>
      %dma_start3A_47 = arith.constant 0 : i32
      %dma_start3A_48 = arith.constant 0 : i32
      %dma_start3A_49 = tpu.memref_slice %arg4[%add3A, %dma_start3A_47, %dma_start3A_48] : memref<32x125x80xi32, #tpu.memory_space<hbm>> -> memref<1x125x80xi32, #tpu.memory_space<hbm>>
      %dma_start3A_50 = tpu.memref_squeeze %dma_start3A_49 : memref<1x125x80xi32, #tpu.memory_space<hbm>> -> memref<125x80xi32, #tpu.memory_space<hbm>>
      %dma_start3A_51 = arith.constant 0 : i32
      %dma_start3A_52 = arith.constant 0 : i32
      %dma_start3A_53 = tpu.memref_slice %arg4[%add3A, %dma_start3A_51, %dma_start3A_52] : memref<32x125x80xi32, #tpu.memory_space<hbm>> -> memref<1x125x80xi32, #tpu.memory_space<hbm>>
      %dma_start3A_54 = tpu.memref_squeeze %dma_start3A_53 : memref<1x125x80xi32, #tpu.memory_space<hbm>> -> memref<125x80xi32, #tpu.memory_space<hbm>>
      tpu.enqueue_dma source(%dma_start3A_54 : memref<125x80xi32, #tpu.memory_space<hbm>>) target(%arg7 : memref<125x80xi32, #tpu.memory_space<vmem>>) target_semaphore(%run_scoped3A_46 : memref<!tpu.dma_semaphore, #tpu.memory_space<semaphore_mem>>)
      %dma_wait3A_55 = arith.constant 0 : i32
      %dma_wait3A_56 = arith.constant 0 : i32
      %dma_wait3A_57 = tpu.memref_slice %arg4[%add3A, %dma_wait3A_55, %dma_wait3A_56] : memref<32x125x80xi32, #tpu.memory_space<hbm>> -> memref<1x125x80xi32, #tpu.memory_space<hbm>>
      %dma_wait3A_58 = tpu.memref_squeeze %dma_wait3A_57 : memref<1x125x80xi32, #tpu.memory_space<hbm>> -> memref<125x80xi32, #tpu.memory_space<hbm>>
      %dma_wait3A_59 = arith.constant 0 : i32
      %dma_wait3A_60 = arith.constant 0 : i32
      %dma_wait3A_61 = tpu.memref_slice %arg4[%add3A, %dma_wait3A_59, %dma_wait3A_60] : memref<32x125x80xi32, #tpu.memory_space<hbm>> -> memref<1x125x80xi32, #tpu.memory_space<hbm>>
      %dma_wait3A_62 = tpu.memref_squeeze %dma_wait3A_61 : memref<1x125x80xi32, #tpu.memory_space<hbm>> -> memref<125x80xi32, #tpu.memory_space<hbm>>
      tpu.wait_dma2 semaphore(%run_scoped3A_46 : memref<!tpu.dma_semaphore, #tpu.memory_space<semaphore_mem>>) src(%dma_wait3A_62 : memref<125x80xi32, #tpu.memory_space<hbm>>) dst(%arg7 : memref<125x80xi32, #tpu.memory_space<vmem>>)
      tpu.yield
    }) : () -> ()
    %add3A_18 = arith.constant 5120 : i32
    %add3A_19 = arith.addi %add3A_18, %arg1 : i32
    %scan3A_20 = arith.constant 0 : i32
    %scan3A_21 = arith.constant 0 : i32
    %scan3A_22 = arith.constant 125 : i32
    %scan3A_23 = arith.addi %scan3A_21, %scan3A_22 : i32
    %scan3A_24 = arith.constant 1 : i32
    %scan3A_25 = scf.for %scan3A_46 = %scan3A_21 to %scan3A_23 step %scan3A_24 iter_args(%scan3A_47 = %scan3A_20) -> (i32)  : i32 {
      %get3A = arith.index_cast %scan3A_46 : i32 to index
      %get3A_48 = arith.constant 0 : index
      %get3A_49 = tpu.vector_load %arg7[%get3A, %get3A_48] {strides = array<i32>} : memref<125x80xi32, #tpu.memory_space<vmem>>, vector<16xi32>,
      %sub3A = arith.constant 0 : i32
      %sub3A_50 = vector.broadcast %sub3A : i32 to vector<16xi32>
      %sub3A_51 = arith.subi %get3A_49, %sub3A_50 : vector<16xi32>
      %ge3A = arith.constant 0 : i32
      %ge3A_52 = vector.broadcast %ge3A : i32 to vector<16xi32>
      %ge3A_53 = arith.cmpi sge, %sub3A_51, %ge3A_52 : vector<16xi32>
      %lt3A = arith.constant 5120 : i32
      %lt3A_54 = vector.broadcast %lt3A : i32 to vector<16xi32>
      %lt3A_55 = arith.cmpi slt, %sub3A_51, %lt3A_54 : vector<16xi32>
      %and3A = arith.andi %ge3A_53, %lt3A_55 : vector<16xi1>
      %broadcast_in_dim3A = vector.broadcast %add3A_19 : i32 to vector<16xi32>
      %select_n3A = arith.select %and3A, %sub3A_51, %broadcast_in_dim3A : vector<16xi1>, vector<16xi32>
      %swap3A = arith.index_cast %scan3A_46 : i32 to index
      %swap3A_56 = arith.constant 0 : index
      %swap3A_57 = tpu.vector_load %arg7[%swap3A, %swap3A_56] {strides = array<i32>} : memref<125x80xi32, #tpu.memory_space<vmem>>, vector<16xi32>,
      tpu.vector_store %arg7[%swap3A, %swap3A_56], %select_n3A {strides = array<i32>} : memref<125x80xi32, #tpu.memory_space<vmem>>, vector<16xi32>,
      %get3A_58 = arith.index_cast %scan3A_46 : i32 to index
      %get3A_59 = arith.constant 16 : index
      %get3A_60 = tpu.vector_load %arg7[%get3A_58, %get3A_59] {strides = array<i32>} : memref<125x80xi32, #tpu.memory_space<vmem>>, vector<16xi32>,
      %sub3A_61 = arith.constant 0 : i32
      %sub3A_62 = vector.broadcast %sub3A_61 : i32 to vector<16xi32>
      %sub3A_63 = arith.subi %get3A_60, %sub3A_62 : vector<16xi32>
      %ge3A_64 = arith.constant 0 : i32
      %ge3A_65 = vector.broadcast %ge3A_64 : i32 to vector<16xi32>
      %ge3A_66 = arith.cmpi sge, %sub3A_63, %ge3A_65 : vector<16xi32>
      %lt3A_67 = arith.constant 5120 : i32
      %lt3A_68 = vector.broadcast %lt3A_67 : i32 to vector<16xi32>
      %lt3A_69 = arith.cmpi slt, %sub3A_63, %lt3A_68 : vector<16xi32>
      %and3A_70 = arith.andi %ge3A_66, %lt3A_69 : vector<16xi1>
      %broadcast_in_dim3A_71 = vector.broadcast %add3A_19 : i32 to vector<16xi32>
      %select_n3A_72 = arith.select %and3A_70, %sub3A_63, %broadcast_in_dim3A_71 : vector<16xi1>, vector<16xi32>
      %swap3A_73 = arith.index_cast %scan3A_46 : i32 to index
      %swap3A_74 = arith.constant 16 : index
      %swap3A_75 = tpu.vector_load %arg7[%swap3A_73, %swap3A_74] {strides = array<i32>} : memref<125x80xi32, #tpu.memory_space<vmem>>, vector<16xi32>,
      tpu.vector_store %arg7[%swap3A_73, %swap3A_74], %select_n3A_72 {strides = array<i32>} : memref<125x80xi32, #tpu.memory_space<vmem>>, vector<16xi32>,
      %get3A_76 = arith.index_cast %scan3A_46 : i32 to index
      %get3A_77 = arith.constant 32 : index
      %get3A_78 = tpu.vector_load %arg7[%get3A_76, %get3A_77] {strides = array<i32>} : memref<125x80xi32, #tpu.memory_space<vmem>>, vector<16xi32>,
      %sub3A_79 = arith.constant 0 : i32
      %sub3A_80 = vector.broadcast %sub3A_79 : i32 to vector<16xi32>
      %sub3A_81 = arith.subi %get3A_78, %sub3A_80 : vector<16xi32>
      %ge3A_82 = arith.constant 0 : i32
      %ge3A_83 = vector.broadcast %ge3A_82 : i32 to vector<16xi32>
      %ge3A_84 = arith.cmpi sge, %sub3A_81, %ge3A_83 : vector<16xi32>
      %lt3A_85 = arith.constant 5120 : i32
      %lt3A_86 = vector.broadcast %lt3A_85 : i32 to vector<16xi32>
      %lt3A_87 = arith.cmpi slt, %sub3A_81, %lt3A_86 : vector<16xi32>
      %and3A_88 = arith.andi %ge3A_84, %lt3A_87 : vector<16xi1>
      %broadcast_in_dim3A_89 = vector.broadcast %add3A_19 : i32 to vector<16xi32>
      %select_n3A_90 = arith.select %and3A_88, %sub3A_81, %broadcast_in_dim3A_89 : vector<16xi1>, vector<16xi32>
      %swap3A_91 = arith.index_cast %scan3A_46 : i32 to index
      %swap3A_92 = arith.constant 32 : index
      %swap3A_93 = tpu.vector_load %arg7[%swap3A_91, %swap3A_92] {strides = array<i32>} : memref<125x80xi32, #tpu.memory_space<vmem>>, vector<16xi32>,
      tpu.vector_store %arg7[%swap3A_91, %swap3A_92], %select_n3A_90 {strides = array<i32>} : memref<125x80xi32, #tpu.memory_space<vmem>>, vector<16xi32>,
      %get3A_94 = arith.index_cast %scan3A_46 : i32 to index
      %get3A_95 = arith.constant 48 : index
      %get3A_96 = tpu.vector_load %arg7[%get3A_94, %get3A_95] {strides = array<i32>} : memref<125x80xi32, #tpu.memory_space<vmem>>, vector<16xi32>,
      %sub3A_97 = arith.constant 0 : i32
      %sub3A_98 = vector.broadcast %sub3A_97 : i32 to vector<16xi32>
      %sub3A_99 = arith.subi %get3A_96, %sub3A_98 : vector<16xi32>
      %ge3A_100 = arith.constant 0 : i32
      %ge3A_101 = vector.broadcast %ge3A_100 : i32 to vector<16xi32>
      %ge3A_102 = arith.cmpi sge, %sub3A_99, %ge3A_101 : vector<16xi32>
      %lt3A_103 = arith.constant 5120 : i32
      %lt3A_104 = vector.broadcast %lt3A_103 : i32 to vector<16xi32>
      %lt3A_105 = arith.cmpi slt, %sub3A_99, %lt3A_104 : vector<16xi32>
      %and3A_106 = arith.andi %ge3A_102, %lt3A_105 : vector<16xi1>
      %broadcast_in_dim3A_107 = vector.broadcast %add3A_19 : i32 to vector<16xi32>
      %select_n3A_108 = arith.select %and3A_106, %sub3A_99, %broadcast_in_dim3A_107 : vector<16xi1>, vector<16xi32>
      %swap3A_109 = arith.index_cast %scan3A_46 : i32 to index
      %swap3A_110 = arith.constant 48 : index
      %swap3A_111 = tpu.vector_load %arg7[%swap3A_109, %swap3A_110] {strides = array<i32>} : memref<125x80xi32, #tpu.memory_space<vmem>>, vector<16xi32>,
      tpu.vector_store %arg7[%swap3A_109, %swap3A_110], %select_n3A_108 {strides = array<i32>} : memref<125x80xi32, #tpu.memory_space<vmem>>, vector<16xi32>,
      %get3A_112 = arith.index_cast %scan3A_46 : i32 to index
      %get3A_113 = arith.constant 64 : index
      %get3A_114 = tpu.vector_load %arg7[%get3A_112, %get3A_113] {strides = array<i32>} : memref<125x80xi32, #tpu.memory_space<vmem>>, vector<16xi32>,
      %sub3A_115 = arith.constant 0 : i32
      %sub3A_116 = vector.broadcast %sub3A_115 : i32 to vector<16xi32>
      %sub3A_117 = arith.subi %get3A_114, %sub3A_116 : vector<16xi32>
      %ge3A_118 = arith.constant 0 : i32
      %ge3A_119 = vector.broadcast %ge3A_118 : i32 to vector<16xi32>
      %ge3A_120 = arith.cmpi sge, %sub3A_117, %ge3A_119 : vector<16xi32>
      %lt3A_121 = arith.constant 5120 : i32
      %lt3A_122 = vector.broadcast %lt3A_121 : i32 to vector<16xi32>
      %lt3A_123 = arith.cmpi slt, %sub3A_117, %lt3A_122 : vector<16xi32>
      %and3A_124 = arith.andi %ge3A_120, %lt3A_123 : vector<16xi1>
      %broadcast_in_dim3A_125 = vector.broadcast %add3A_19 : i32 to vector<16xi32>
      %select_n3A_126 = arith.select %and3A_124, %sub3A_117, %broadcast_in_dim3A_125 : vector<16xi1>, vector<16xi32>
      %swap3A_127 = arith.index_cast %scan3A_46 : i32 to index
      %swap3A_128 = arith.constant 64 : index
      %swap3A_129 = tpu.vector_load %arg7[%swap3A_127, %swap3A_128] {strides = array<i32>} : memref<125x80xi32, #tpu.memory_space<vmem>>, vector<16xi32>,
      tpu.vector_store %arg7[%swap3A_127, %swap3A_128], %select_n3A_126 {strides = array<i32>} : memref<125x80xi32, #tpu.memory_space<vmem>>, vector<16xi32>,
      %scan3A_130 = arith.constant 0 : i32
      scf.yield %scan3A_130 : i32
    }
    %scan3A_26 = arith.constant 125 : i32
    %barrier3A = arith.constant 0 : index
    tpu.barrier barrier_id(%barrier3A)
    %dma_start3A = arith.constant 0 : i32
    %dma_start3A_27 = arith.constant 0 : i32
    %dma_start3A_28 = tpu.memref_slice %arg6[%dma_start3A, %dma_start3A_27] : memref<125x80xi32, #tpu.memory_space<vmem>> -> memref<1x80xi32, #tpu.memory_space<vmem>>
    %dma_start3A_29 = tpu.memref_squeeze %dma_start3A_28 : memref<1x80xi32, #tpu.memory_space<vmem>> -> memref<80xi32, #tpu.memory_space<vmem>>
    %dma_start3A_30 = arith.constant 0 : i32
    %dma_start3A_31 = arith.constant 0 : i32
    %dma_start3A_32 = tpu.memref_slice %arg2[%dma_start3A_30, %dma_start3A_31] : memref<10000x128xf32, #tpu.memory_space<hbm>> -> memref<10000x128xf32, #tpu.memory_space<hbm>>
    tpu.enqueue_indirect_dma source(%dma_start3A_32 : memref<10000x128xf32, #tpu.memory_space<hbm>>) target(%arg8 : memref<80x128xf32, #tpu.memory_space<vmem>>) offsets(%dma_start3A_29 : memref<80xi32, #tpu.memory_space<vmem>>) semaphore(%arg11 : memref<!tpu.dma_semaphore, #tpu.memory_space<semaphore_mem>>)
    %scan3A_33 = arith.constant 0 : i32
    %scan3A_34 = arith.constant 0 : i32
    %scan3A_35 = arith.constant 62 : i32
    %scan3A_36 = arith.addi %scan3A_34, %scan3A_35 : i32
    %scan3A_37 = arith.constant 1 : i32
    %scan3A_38 = scf.for %scan3A_46 = %scan3A_34 to %scan3A_36 step %scan3A_37 iter_args(%scan3A_47 = %scan3A_33) -> (i32)  : i32 {
      %mul3A_48 = arith.constant 2 : i32
      %mul3A_49 = arith.muli %mul3A_48, %scan3A_46 : i32
      %dma_wait3A_50 = arith.constant 0 : i32
      %dma_wait3A_51 = arith.constant 0 : i32
      %dma_wait3A_52 = tpu.memref_slice %arg2[%dma_wait3A_50, %dma_wait3A_51] : memref<10000x128xf32, #tpu.memory_space<hbm>> -> memref<80x128xf32, #tpu.memory_space<hbm>>
      %dma_wait3A_53 = arith.constant 0 : i32
      %dma_wait3A_54 = arith.constant 0 : i32
      %dma_wait3A_55 = tpu.memref_slice %arg2[%dma_wait3A_53, %dma_wait3A_54] : memref<10000x128xf32, #tpu.memory_space<hbm>> -> memref<80x128xf32, #tpu.memory_space<hbm>>
      tpu.wait_dma2 semaphore(%arg11 : memref<!tpu.dma_semaphore, #tpu.memory_space<semaphore_mem>>) src(%dma_wait3A_55 : memref<80x128xf32, #tpu.memory_space<hbm>>) dst(%arg8 : memref<80x128xf32, #tpu.memory_space<vmem>>)
      %add3A_56 = arith.constant 1 : i32
      %add3A_57 = arith.addi %mul3A_49, %add3A_56 : i32
      %dma_start3A_58 = arith.constant 0 : i32
      %dma_start3A_59 = tpu.memref_slice %arg6[%add3A_57, %dma_start3A_58] : memref<125x80xi32, #tpu.memory_space<vmem>> -> memref<1x80xi32, #tpu.memory_space<vmem>>
      %dma_start3A_60 = tpu.memref_squeeze %dma_start3A_59 : memref<1x80xi32, #tpu.memory_space<vmem>> -> memref<80xi32, #tpu.memory_space<vmem>>
      %dma_start3A_61 = arith.constant 0 : i32
      %dma_start3A_62 = arith.constant 0 : i32
      %dma_start3A_63 = tpu.memref_slice %arg2[%dma_start3A_61, %dma_start3A_62] : memref<10000x128xf32, #tpu.memory_space<hbm>> -> memref<10000x128xf32, #tpu.memory_space<hbm>>
      tpu.enqueue_indirect_dma source(%dma_start3A_63 : memref<10000x128xf32, #tpu.memory_space<hbm>>) target(%arg9 : memref<80x128xf32, #tpu.memory_space<vmem>>) offsets(%dma_start3A_60 : memref<80xi32, #tpu.memory_space<vmem>>) semaphore(%arg12 : memref<!tpu.dma_semaphore, #tpu.memory_space<semaphore_mem>>)
      "tpu.region"() ({
        %run_scoped3A_79 = tpu.sem_alloc : memref<!tpu.dma_semaphore, #tpu.memory_space<semaphore_mem>>
        %dma_start3A_80 = arith.constant 0 : i32
        %dma_start3A_81 = tpu.memref_slice %arg7[%mul3A_49, %dma_start3A_80] : memref<125x80xi32, #tpu.memory_space<vmem>> -> memref<1x80xi32, #tpu.memory_space<vmem>>
        %dma_start3A_82 = tpu.memref_squeeze %dma_start3A_81 : memref<1x80xi32, #tpu.memory_space<vmem>> -> memref<80xi32, #tpu.memory_space<vmem>>
        %dma_start3A_83 = arith.constant 0 : i32
        %dma_start3A_84 = arith.constant 0 : i32
        %dma_start3A_85 = tpu.memref_slice %arg13[%dma_start3A_83, %dma_start3A_84] : memref<5136x128xf32, #tpu.memory_space<vmem_shared>> -> memref<5136x128xf32, #tpu.memory_space<vmem_shared>>
        tpu.enqueue_indirect_dma source(%arg8 : memref<80x128xf32, #tpu.memory_space<vmem>>) target(%dma_start3A_85 : memref<5136x128xf32, #tpu.memory_space<vmem_shared>>) offsets(%dma_start3A_82 : memref<80xi32, #tpu.memory_space<vmem>>) semaphore(%run_scoped3A_79 : memref<!tpu.dma_semaphore, #tpu.memory_space<semaphore_mem>>) {add = true}
        %dma_wait3A_86 = arith.constant 0 : i32
        %dma_wait3A_87 = tpu.memref_slice %arg7[%mul3A_49, %dma_wait3A_86] : memref<125x80xi32, #tpu.memory_space<vmem>> -> memref<1x80xi32, #tpu.memory_space<vmem>>
        %dma_wait3A_88 = tpu.memref_squeeze %dma_wait3A_87 : memref<1x80xi32, #tpu.memory_space<vmem>> -> memref<80xi32, #tpu.memory_space<vmem>>
        %dma_wait3A_89 = arith.constant 0 : i32
        %dma_wait3A_90 = arith.constant 0 : i32
        %dma_wait3A_91 = tpu.memref_slice %arg13[%dma_wait3A_89, %dma_wait3A_90] : memref<5136x128xf32, #tpu.memory_space<vmem_shared>> -> memref<5136x128xf32, #tpu.memory_space<vmem_shared>>
        tpu.wait_indirect_dma semaphore(%run_scoped3A_79 : memref<!tpu.dma_semaphore, #tpu.memory_space<semaphore_mem>>) src(%arg8 : memref<80x128xf32, #tpu.memory_space<vmem>>) dst(%dma_wait3A_91 : memref<5136x128xf32, #tpu.memory_space<vmem_shared>>)
        tpu.yield
      }) : () -> ()
      %dma_wait3A_64 = arith.constant 0 : i32
      %dma_wait3A_65 = arith.constant 0 : i32
      %dma_wait3A_66 = tpu.memref_slice %arg2[%dma_wait3A_64, %dma_wait3A_65] : memref<10000x128xf32, #tpu.memory_space<hbm>> -> memref<80x128xf32, #tpu.memory_space<hbm>>
      %dma_wait3A_67 = arith.constant 0 : i32
      %dma_wait3A_68 = arith.constant 0 : i32
      %dma_wait3A_69 = tpu.memref_slice %arg2[%dma_wait3A_67, %dma_wait3A_68] : memref<10000x128xf32, #tpu.memory_space<hbm>> -> memref<80x128xf32, #tpu.memory_space<hbm>>
      tpu.wait_dma2 semaphore(%arg12 : memref<!tpu.dma_semaphore, #tpu.memory_space<semaphore_mem>>) src(%dma_wait3A_69 : memref<80x128xf32, #tpu.memory_space<hbm>>) dst(%arg9 : memref<80x128xf32, #tpu.memory_space<vmem>>)
      %add3A_70 = arith.constant 2 : i32
      %add3A_71 = arith.addi %mul3A_49, %add3A_70 : i32
      %lt3A = arith.constant 125 : i32
      %lt3A_72 = arith.cmpi slt, %add3A_71, %lt3A : i32
      %convert_element_type3A_73 = arith.extui %lt3A_72 : i1 to i32
      %cond3A_74 = arith.constant 0 : i32
      %cond3A_75 = arith.cmpi ne, %convert_element_type3A_73, %cond3A_74 : i32
      scf.if %cond3A_75 {
        %add3A_79 = arith.constant 2 : i32
        %add3A_80 = arith.addi %mul3A_49, %add3A_79 : i32
        %dma_start3A_81 = arith.constant 0 : i32
        %dma_start3A_82 = tpu.memref_slice %arg6[%add3A_80, %dma_start3A_81] : memref<125x80xi32, #tpu.memory_space<vmem>> -> memref<1x80xi32, #tpu.memory_space<vmem>>
        %dma_start3A_83 = tpu.memref_squeeze %dma_start3A_82 : memref<1x80xi32, #tpu.memory_space<vmem>> -> memref<80xi32, #tpu.memory_space<vmem>>
        %dma_start3A_84 = arith.constant 0 : i32
        %dma_start3A_85 = arith.constant 0 : i32
        %dma_start3A_86 = tpu.memref_slice %arg2[%dma_start3A_84, %dma_start3A_85] : memref<10000x128xf32, #tpu.memory_space<hbm>> -> memref<10000x128xf32, #tpu.memory_space<hbm>>
        tpu.enqueue_indirect_dma source(%dma_start3A_86 : memref<10000x128xf32, #tpu.memory_space<hbm>>) target(%arg8 : memref<80x128xf32, #tpu.memory_space<vmem>>) offsets(%dma_start3A_83 : memref<80xi32, #tpu.memory_space<vmem>>) semaphore(%arg11 : memref<!tpu.dma_semaphore, #tpu.memory_space<semaphore_mem>>)
      } else {
      }
      %add3A_76 = arith.constant 1 : i32
      %add3A_77 = arith.addi %mul3A_49, %add3A_76 : i32
      "tpu.region"() ({
        %run_scoped3A_79 = tpu.sem_alloc : memref<!tpu.dma_semaphore, #tpu.memory_space<semaphore_mem>>
        %dma_start3A_80 = arith.constant 0 : i32
        %dma_start3A_81 = tpu.memref_slice %arg7[%add3A_77, %dma_start3A_80] : memref<125x80xi32, #tpu.memory_space<vmem>> -> memref<1x80xi32, #tpu.memory_space<vmem>>
        %dma_start3A_82 = tpu.memref_squeeze %dma_start3A_81 : memref<1x80xi32, #tpu.memory_space<vmem>> -> memref<80xi32, #tpu.memory_space<vmem>>
        %dma_start3A_83 = arith.constant 0 : i32
        %dma_start3A_84 = arith.constant 0 : i32
        %dma_start3A_85 = tpu.memref_slice %arg13[%dma_start3A_83, %dma_start3A_84] : memref<5136x128xf32, #tpu.memory_space<vmem_shared>> -> memref<5136x128xf32, #tpu.memory_space<vmem_shared>>
        tpu.enqueue_indirect_dma source(%arg9 : memref<80x128xf32, #tpu.memory_space<vmem>>) target(%dma_start3A_85 : memref<5136x128xf32, #tpu.memory_space<vmem_shared>>) offsets(%dma_start3A_82 : memref<80xi32, #tpu.memory_space<vmem>>) semaphore(%run_scoped3A_79 : memref<!tpu.dma_semaphore, #tpu.memory_space<semaphore_mem>>) {add = true}
        %dma_wait3A_86 = arith.constant 0 : i32
        %dma_wait3A_87 = tpu.memref_slice %arg7[%add3A_77, %dma_wait3A_86] : memref<125x80xi32, #tpu.memory_space<vmem>> -> memref<1x80xi32, #tpu.memory_space<vmem>>
        %dma_wait3A_88 = tpu.memref_squeeze %dma_wait3A_87 : memref<1x80xi32, #tpu.memory_space<vmem>> -> memref<80xi32, #tpu.memory_space<vmem>>
        %dma_wait3A_89 = arith.constant 0 : i32
        %dma_wait3A_90 = arith.constant 0 : i32
        %dma_wait3A_91 = tpu.memref_slice %arg13[%dma_wait3A_89, %dma_wait3A_90] : memref<5136x128xf32, #tpu.memory_space<vmem_shared>> -> memref<5136x128xf32, #tpu.memory_space<vmem_shared>>
        tpu.wait_indirect_dma semaphore(%run_scoped3A_79 : memref<!tpu.dma_semaphore, #tpu.memory_space<semaphore_mem>>) src(%arg9 : memref<80x128xf32, #tpu.memory_space<vmem>>) dst(%dma_wait3A_91 : memref<5136x128xf32, #tpu.memory_space<vmem_shared>>)
        tpu.yield
      }) : () -> ()
      %scan3A_78 = arith.constant 0 : i32
      scf.yield %scan3A_78 : i32
    }
    %scan3A_39 = arith.constant 62 : i32
    %dma_wait3A = arith.constant 0 : i32
    %dma_wait3A_40 = arith.constant 0 : i32
    %dma_wait3A_41 = tpu.memref_slice %arg2[%dma_wait3A, %dma_wait3A_40] : memref<10000x128xf32, #tpu.memory_space<hbm>> -> memref<80x128xf32, #tpu.memory_space<hbm>>
    %dma_wait3A_42 = arith.constant 0 : i32
    %dma_wait3A_43 = arith.constant 0 : i32
    %dma_wait3A_44 = tpu.memref_slice %arg2[%dma_wait3A_42, %dma_wait3A_43] : memref<10000x128xf32, #tpu.memory_space<hbm>> -> memref<80x128xf32, #tpu.memory_space<hbm>>
    tpu.wait_dma2 semaphore(%arg11 : memref<!tpu.dma_semaphore, #tpu.memory_space<semaphore_mem>>) src(%dma_wait3A_44 : memref<80x128xf32, #tpu.memory_space<hbm>>) dst(%arg8 : memref<80x128xf32, #tpu.memory_space<vmem>>)
    %run_scoped3A = arith.constant 124 : i32
    "tpu.region"() ({
      %run_scoped3A_46 = tpu.sem_alloc : memref<!tpu.dma_semaphore, #tpu.memory_space<semaphore_mem>>
      %dma_start3A_47 = arith.constant 0 : i32
      %dma_start3A_48 = tpu.memref_slice %arg7[%run_scoped3A, %dma_start3A_47] : memref<125x80xi32, #tpu.memory_space<vmem>> -> memref<1x80xi32, #tpu.memory_space<vmem>>
      %dma_start3A_49 = tpu.memref_squeeze %dma_start3A_48 : memref<1x80xi32, #tpu.memory_space<vmem>> -> memref<80xi32, #tpu.memory_space<vmem>>
      %dma_start3A_50 = arith.constant 0 : i32
      %dma_start3A_51 = arith.constant 0 : i32
      %dma_start3A_52 = tpu.memref_slice %arg13[%dma_start3A_50, %dma_start3A_51] : memref<5136x128xf32, #tpu.memory_space<vmem_shared>> -> memref<5136x128xf32, #tpu.memory_space<vmem_shared>>
      tpu.enqueue_indirect_dma source(%arg8 : memref<80x128xf32, #tpu.memory_space<vmem>>) target(%dma_start3A_52 : memref<5136x128xf32, #tpu.memory_space<vmem_shared>>) offsets(%dma_start3A_49 : memref<80xi32, #tpu.memory_space<vmem>>) semaphore(%run_scoped3A_46 : memref<!tpu.dma_semaphore, #tpu.memory_space<semaphore_mem>>) {add = true}
      %dma_wait3A_53 = arith.constant 0 : i32
      %dma_wait3A_54 = tpu.memref_slice %arg7[%run_scoped3A, %dma_wait3A_53] : memref<125x80xi32, #tpu.memory_space<vmem>> -> memref<1x80xi32, #tpu.memory_space<vmem>>
      %dma_wait3A_55 = tpu.memref_squeeze %dma_wait3A_54 : memref<1x80xi32, #tpu.memory_space<vmem>> -> memref<80xi32, #tpu.memory_space<vmem>>
      %dma_wait3A_56 = arith.constant 0 : i32
      %dma_wait3A_57 = arith.constant 0 : i32
      %dma_wait3A_58 = tpu.memref_slice %arg13[%dma_wait3A_56, %dma_wait3A_57] : memref<5136x128xf32, #tpu.memory_space<vmem_shared>> -> memref<5136x128xf32, #tpu.memory_space<vmem_shared>>
      tpu.wait_indirect_dma semaphore(%run_scoped3A_46 : memref<!tpu.dma_semaphore, #tpu.memory_space<semaphore_mem>>) src(%arg8 : memref<80x128xf32, #tpu.memory_space<vmem>>) dst(%dma_wait3A_58 : memref<5136x128xf32, #tpu.memory_space<vmem_shared>>)
      tpu.yield
    }) : () -> ()
    %barrier3A_45 = arith.constant 0 : index
    tpu.barrier barrier_id(%barrier3A_45)
    "tpu.region"() ({
      %run_scoped3A_46 = tpu.sem_alloc : memref<!tpu.dma_semaphore, #tpu.memory_space<semaphore_mem>>
      %dma_start3A_47 = arith.constant 0 : i32
      %dma_start3A_48 = tpu.memref_slice %arg5[%arg0, %mul3A_8, %dma_start3A_47] : memref<2x5120x128xf32, #tpu.memory_space<hbm>> -> memref<1x320x128xf32, #tpu.memory_space<hbm>>
      %dma_start3A_49 = tpu.memref_squeeze %dma_start3A_48 : memref<1x320x128xf32, #tpu.memory_space<hbm>> -> memref<320x128xf32, #tpu.memory_space<hbm>>
      %dma_start3A_50 = arith.constant 0 : i32
      %dma_start3A_51 = tpu.memref_slice %arg13[%mul3A_8, %dma_start3A_50] : memref<5136x128xf32, #tpu.memory_space<vmem_shared>> -> memref<320x128xf32, #tpu.memory_space<vmem_shared>>
      tpu.enqueue_dma source(%dma_start3A_51 : memref<320x128xf32, #tpu.memory_space<vmem_shared>>) target(%dma_start3A_49 : memref<320x128xf32, #tpu.memory_space<hbm>>) target_semaphore(%run_scoped3A_46 : memref<!tpu.dma_semaphore, #tpu.memory_space<semaphore_mem>>)
      %dma_wait3A_52 = arith.constant 0 : i32
      %dma_wait3A_53 = tpu.memref_slice %arg5[%arg0, %mul3A_8, %dma_wait3A_52] : memref<2x5120x128xf32, #tpu.memory_space<hbm>> -> memref<1x320x128xf32, #tpu.memory_space<hbm>>
      %dma_wait3A_54 = tpu.memref_squeeze %dma_wait3A_53 : memref<1x320x128xf32, #tpu.memory_space<hbm>> -> memref<320x128xf32, #tpu.memory_space<hbm>>
      %dma_wait3A_55 = arith.constant 0 : i32
      %dma_wait3A_56 = tpu.memref_slice %arg13[%mul3A_8, %dma_wait3A_55] : memref<5136x128xf32, #tpu.memory_space<vmem_shared>> -> memref<320x128xf32, #tpu.memory_space<vmem_shared>>
      tpu.wait_dma2 semaphore(%run_scoped3A_46 : memref<!tpu.dma_semaphore, #tpu.memory_space<semaphore_mem>>) src(%dma_wait3A_56 : memref<320x128xf32, #tpu.memory_space<vmem_shared>>) dst(%dma_wait3A_54 : memref<320x128xf32, #tpu.memory_space<hbm>>)
      tpu.yield
    }) : () -> ()
    return
  }
}

#map = affine_map<(d0, d1) -> (0, 0)>
#map1 = affine_map<(d0, d1) -> (0, 0, 0)>
module attributes {stable_mosaic.version = 14 : i64} {
  func.func @_sc_body(%arg0: i32, %arg1: i32, %arg2: memref<10000x128xf32, #tpu.memory_space<hbm>>, %arg3: memref<32x125x80xi32, #tpu.memory_space<hbm>>, %arg4: memref<32x125x80xi32, #tpu.memory_space<hbm>>, %arg5: memref<2x5120x128xf32, #tpu.memory_space<hbm>>, %arg6: memref<125x80xi32, #tpu.memory_space<vmem>>, %arg7: memref<125x80xi32, #tpu.memory_space<vmem>>, %arg8: memref<80x128xf32, #tpu.memory_space<vmem>>, %arg9: memref<80x128xf32, #tpu.memory_space<vmem>>, %arg10: memref<40x128xf32, #tpu.memory_space<vmem>>, %arg11: memref<!tpu.dma_semaphore, #tpu.memory_space<semaphore_mem>>, %arg12: memref<!tpu.dma_semaphore, #tpu.memory_space<semaphore_mem>>, %arg13: memref<5136x128xf32, #tpu.memory_space<vmem_shared>>) attributes {dimension_semantics = [#tpu.dimension_semantics<core_parallel>, #tpu.dimension_semantics<subcore_parallel>], iteration_bounds = array<i64: 2, 16>, scalar_prefetch = 0 : i64, scratch_operands = 8 : i64, tpu.core_type = #tpu.core_type<sc_vector_subcore>, window_params = [{transform_indices = #map}, {transform_indices = #map1}, {transform_indices = #map1}, {transform_indices = #map1}]} {
    %mul3A = arith.constant 2 : i32
    %mul3A_0 = arith.muli %arg1, %mul3A : i32
    %add3A = arith.addi %mul3A_0, %arg0 : i32
    %scan3A = arith.constant 0 : i32
    %scan3A_1 = arith.constant 0 : i32
    %scan3A_2 = arith.constant 40 : i32
    %scan3A_3 = arith.addi %scan3A_1, %scan3A_2 : i32
    %scan3A_4 = arith.constant 1 : i32
    %scan3A_5 = scf.for %scan3A_46 = %scan3A_1 to %scan3A_3 step %scan3A_4 iter_args(%scan3A_47 = %scan3A) -> (i32)  : i32 {
      %broadcast_in_dim3A = arith.constant 0.000000e+00 : f32
      %broadcast_in_dim3A_48 = vector.broadcast %broadcast_in_dim3A : f32 to vector<16xf32>
      %swap3A = arith.index_cast %scan3A_46 : i32 to index
      %swap3A_49 = arith.constant 0 : index
      %swap3A_50 = tpu.vector_load %arg10[%swap3A, %swap3A_49] {strides = array<i32>} : memref<40x128xf32, #tpu.memory_space<vmem>>, vector<16xf32>,
      tpu.vector_store %arg10[%swap3A, %swap3A_49], %broadcast_in_dim3A_48 {strides = array<i32>} : memref<40x128xf32, #tpu.memory_space<vmem>>, vector<16xf32>,
      %broadcast_in_dim3A_51 = arith.constant 0.000000e+00 : f32
      %broadcast_in_dim3A_52 = vector.broadcast %broadcast_in_dim3A_51 : f32 to vector<16xf32>
      %swap3A_53 = arith.index_cast %scan3A_46 : i32 to index
      %swap3A_54 = arith.constant 16 : index
      %swap3A_55 = tpu.vector_load %arg10[%swap3A_53, %swap3A_54] {strides = array<i32>} : memref<40x128xf32, #tpu.memory_space<vmem>>, vector<16xf32>,
      tpu.vector_store %arg10[%swap3A_53, %swap3A_54], %broadcast_in_dim3A_52 {strides = array<i32>} : memref<40x128xf32, #tpu.memory_space<vmem>>, vector<16xf32>,
      %broadcast_in_dim3A_56 = arith.constant 0.000000e+00 : f32
      %broadcast_in_dim3A_57 = vector.broadcast %broadcast_in_dim3A_56 : f32 to vector<16xf32>
      %swap3A_58 = arith.index_cast %scan3A_46 : i32 to index
      %swap3A_59 = arith.constant 32 : index
      %swap3A_60 = tpu.vector_load %arg10[%swap3A_58, %swap3A_59] {strides = array<i32>} : memref<40x128xf32, #tpu.memory_space<vmem>>, vector<16xf32>,
      tpu.vector_store %arg10[%swap3A_58, %swap3A_59], %broadcast_in_dim3A_57 {strides = array<i32>} : memref<40x128xf32, #tpu.memory_space<vmem>>, vector<16xf32>,
      %broadcast_in_dim3A_61 = arith.constant 0.000000e+00 : f32
      %broadcast_in_dim3A_62 = vector.broadcast %broadcast_in_dim3A_61 : f32 to vector<16xf32>
      %swap3A_63 = arith.index_cast %scan3A_46 : i32 to index
      %swap3A_64 = arith.constant 48 : index
      %swap3A_65 = tpu.vector_load %arg10[%swap3A_63, %swap3A_64] {strides = array<i32>} : memref<40x128xf32, #tpu.memory_space<vmem>>, vector<16xf32>,
      tpu.vector_store %arg10[%swap3A_63, %swap3A_64], %broadcast_in_dim3A_62 {strides = array<i32>} : memref<40x128xf32, #tpu.memory_space<vmem>>, vector<16xf32>,
      %broadcast_in_dim3A_66 = arith.constant 0.000000e+00 : f32
      %broadcast_in_dim3A_67 = vector.broadcast %broadcast_in_dim3A_66 : f32 to vector<16xf32>
      %swap3A_68 = arith.index_cast %scan3A_46 : i32 to index
      %swap3A_69 = arith.constant 64 : index
      %swap3A_70 = tpu.vector_load %arg10[%swap3A_68, %swap3A_69] {strides = array<i32>} : memref<40x128xf32, #tpu.memory_space<vmem>>, vector<16xf32>,
      tpu.vector_store %arg10[%swap3A_68, %swap3A_69], %broadcast_in_dim3A_67 {strides = array<i32>} : memref<40x128xf32, #tpu.memory_space<vmem>>, vector<16xf32>,
      %broadcast_in_dim3A_71 = arith.constant 0.000000e+00 : f32
      %broadcast_in_dim3A_72 = vector.broadcast %broadcast_in_dim3A_71 : f32 to vector<16xf32>
      %swap3A_73 = arith.index_cast %scan3A_46 : i32 to index
      %swap3A_74 = arith.constant 80 : index
      %swap3A_75 = tpu.vector_load %arg10[%swap3A_73, %swap3A_74] {strides = array<i32>} : memref<40x128xf32, #tpu.memory_space<vmem>>, vector<16xf32>,
      tpu.vector_store %arg10[%swap3A_73, %swap3A_74], %broadcast_in_dim3A_72 {strides = array<i32>} : memref<40x128xf32, #tpu.memory_space<vmem>>, vector<16xf32>,
      %broadcast_in_dim3A_76 = arith.constant 0.000000e+00 : f32
      %broadcast_in_dim3A_77 = vector.broadcast %broadcast_in_dim3A_76 : f32 to vector<16xf32>
      %swap3A_78 = arith.index_cast %scan3A_46 : i32 to index
      %swap3A_79 = arith.constant 96 : index
      %swap3A_80 = tpu.vector_load %arg10[%swap3A_78, %swap3A_79] {strides = array<i32>} : memref<40x128xf32, #tpu.memory_space<vmem>>, vector<16xf32>,
      tpu.vector_store %arg10[%swap3A_78, %swap3A_79], %broadcast_in_dim3A_77 {strides = array<i32>} : memref<40x128xf32, #tpu.memory_space<vmem>>, vector<16xf32>,
      %broadcast_in_dim3A_81 = arith.constant 0.000000e+00 : f32
      %broadcast_in_dim3A_82 = vector.broadcast %broadcast_in_dim3A_81 : f32 to vector<16xf32>
      %swap3A_83 = arith.index_cast %scan3A_46 : i32 to index
      %swap3A_84 = arith.constant 112 : index
      %swap3A_85 = tpu.vector_load %arg10[%swap3A_83, %swap3A_84] {strides = array<i32>} : memref<40x128xf32, #tpu.memory_space<vmem>>, vector<16xf32>,
      tpu.vector_store %arg10[%swap3A_83, %swap3A_84], %broadcast_in_dim3A_82 {strides = array<i32>} : memref<40x128xf32, #tpu.memory_space<vmem>>, vector<16xf32>,
      %scan3A_86 = arith.constant 0 : i32
      scf.yield %scan3A_86 : i32
    }
    %scan3A_6 = arith.constant 40 : i32
    %mul3A_7 = arith.constant 320 : i32
    %mul3A_8 = arith.muli %arg1, %mul3A_7 : i32
    %scan3A_9 = arith.constant 0 : i32
    %scan3A_10 = arith.constant 0 : i32
    %scan3A_11 = arith.constant 8 : i32
    %scan3A_12 = arith.addi %scan3A_10, %scan3A_11 : i32
    %scan3A_13 = arith.constant 1 : i32
    %scan3A_14 = scf.for %scan3A_46 = %scan3A_10 to %scan3A_12 step %scan3A_13 iter_args(%scan3A_47 = %scan3A_9) -> (i32)  : i32 {
      %mul3A_48 = arith.constant 40 : i32
      %mul3A_49 = arith.muli %scan3A_46, %mul3A_48 : i32
      %add3A_50 = arith.addi %mul3A_8, %mul3A_49 : i32
      "tpu.region"() ({
        %run_scoped3A_52 = tpu.sem_alloc : memref<!tpu.dma_semaphore, #tpu.memory_space<semaphore_mem>>
        %dma_start3A_53 = arith.constant 0 : i32
        %dma_start3A_54 = tpu.memref_slice %arg13[%add3A_50, %dma_start3A_53] : memref<5136x128xf32, #tpu.memory_space<vmem_shared>> -> memref<40x128xf32, #tpu.memory_space<vmem_shared>>
        %dma_start3A_55 = arith.constant 0 : i32
        %dma_start3A_56 = tpu.memref_slice %arg13[%add3A_50, %dma_start3A_55] : memref<5136x128xf32, #tpu.memory_space<vmem_shared>> -> memref<40x128xf32, #tpu.memory_space<vmem_shared>>
        tpu.enqueue_dma source(%arg10 : memref<40x128xf32, #tpu.memory_space<vmem>>) target(%dma_start3A_56 : memref<40x128xf32, #tpu.memory_space<vmem_shared>>) target_semaphore(%run_scoped3A_52 : memref<!tpu.dma_semaphore, #tpu.memory_space<semaphore_mem>>)
        %dma_wait3A_57 = arith.constant 0 : i32
        %dma_wait3A_58 = tpu.memref_slice %arg13[%add3A_50, %dma_wait3A_57] : memref<5136x128xf32, #tpu.memory_space<vmem_shared>> -> memref<40x128xf32, #tpu.memory_space<vmem_shared>>
        %dma_wait3A_59 = arith.constant 0 : i32
        %dma_wait3A_60 = tpu.memref_slice %arg13[%add3A_50, %dma_wait3A_59] : memref<5136x128xf32, #tpu.memory_space<vmem_shared>> -> memref<40x128xf32, #tpu.memory_space<vmem_shared>>
        tpu.wait_dma2 semaphore(%run_scoped3A_52 : memref<!tpu.dma_semaphore, #tpu.memory_space<semaphore_mem>>) src(%arg10 : memref<40x128xf32, #tpu.memory_space<vmem>>) dst(%dma_wait3A_60 : memref<40x128xf32, #tpu.memory_space<vmem_shared>>)
        tpu.yield
      }) : () -> ()
      %scan3A_51 = arith.constant 0 : i32
      scf.yield %scan3A_51 : i32
    }
    %scan3A_15 = arith.constant 8 : i32
    %eq3A = arith.constant 0 : i32
    %eq3A_16 = arith.cmpi eq, %arg1, %eq3A : i32
    %convert_element_type3A = arith.extui %eq3A_16 : i1 to i32
    %cond3A = arith.constant 0 : i32
    %cond3A_17 = arith.cmpi ne, %convert_element_type3A, %cond3A : i32
    scf.if %cond3A_17 {
      "tpu.region"() ({
        %run_scoped3A_46 = tpu.sem_alloc : memref<!tpu.dma_semaphore, #tpu.memory_space<semaphore_mem>>
        %dma_start3A_47 = arith.constant 0 : i32
        %dma_start3A_48 = arith.constant 0 : i32
        %dma_start3A_49 = tpu.memref_slice %arg10[%dma_start3A_47, %dma_start3A_48] : memref<40x128xf32, #tpu.memory_space<vmem>> -> memref<16x128xf32, #tpu.memory_space<vmem>>
        %dma_start3A_50 = arith.constant 5120 : i32
        %dma_start3A_51 = arith.constant 0 : i32
        %dma_start3A_52 = tpu.memref_slice %arg13[%dma_start3A_50, %dma_start3A_51] : memref<5136x128xf32, #tpu.memory_space<vmem_shared>> -> memref<16x128xf32, #tpu.memory_space<vmem_shared>>
        %dma_start3A_53 = arith.constant 5120 : i32
        %dma_start3A_54 = arith.constant 0 : i32
        %dma_start3A_55 = tpu.memref_slice %arg13[%dma_start3A_53, %dma_start3A_54] : memref<5136x128xf32, #tpu.memory_space<vmem_shared>> -> memref<16x128xf32, #tpu.memory_space<vmem_shared>>
        %dma_start3A_56 = arith.constant 0 : i32
        %dma_start3A_57 = arith.constant 0 : i32
        %dma_start3A_58 = tpu.memref_slice %arg10[%dma_start3A_56, %dma_start3A_57] : memref<40x128xf32, #tpu.memory_space<vmem>> -> memref<16x128xf32, #tpu.memory_space<vmem>>
        tpu.enqueue_dma source(%dma_start3A_58 : memref<16x128xf32, #tpu.memory_space<vmem>>) target(%dma_start3A_55 : memref<16x128xf32, #tpu.memory_space<vmem_shared>>) target_semaphore(%run_scoped3A_46 : memref<!tpu.dma_semaphore, #tpu.memory_space<semaphore_mem>>)
        %dma_wait3A_59 = arith.constant 0 : i32
        %dma_wait3A_60 = arith.constant 0 : i32
        %dma_wait3A_61 = tpu.memref_slice %arg10[%dma_wait3A_59, %dma_wait3A_60] : memref<40x128xf32, #tpu.memory_space<vmem>> -> memref<16x128xf32, #tpu.memory_space<vmem>>
        %dma_wait3A_62 = arith.constant 5120 : i32
        %dma_wait3A_63 = arith.constant 0 : i32
        %dma_wait3A_64 = tpu.memref_slice %arg13[%dma_wait3A_62, %dma_wait3A_63] : memref<5136x128xf32, #tpu.memory_space<vmem_shared>> -> memref<16x128xf32, #tpu.memory_space<vmem_shared>>
        %dma_wait3A_65 = arith.constant 5120 : i32
        %dma_wait3A_66 = arith.constant 0 : i32
        %dma_wait3A_67 = tpu.memref_slice %arg13[%dma_wait3A_65, %dma_wait3A_66] : memref<5136x128xf32, #tpu.memory_space<vmem_shared>> -> memref<16x128xf32, #tpu.memory_space<vmem_shared>>
        %dma_wait3A_68 = arith.constant 0 : i32
        %dma_wait3A_69 = arith.constant 0 : i32
        %dma_wait3A_70 = tpu.memref_slice %arg10[%dma_wait3A_68, %dma_wait3A_69] : memref<40x128xf32, #tpu.memory_space<vmem>> -> memref<16x128xf32, #tpu.memory_space<vmem>>
        tpu.wait_dma2 semaphore(%run_scoped3A_46 : memref<!tpu.dma_semaphore, #tpu.memory_space<semaphore_mem>>) src(%dma_wait3A_70 : memref<16x128xf32, #tpu.memory_space<vmem>>) dst(%dma_wait3A_67 : memref<16x128xf32, #tpu.memory_space<vmem_shared>>)
        tpu.yield
      }) : () -> ()
    } else {
    }
    "tpu.region"() ({
      %run_scoped3A_46 = tpu.sem_alloc : memref<!tpu.dma_semaphore, #tpu.memory_space<semaphore_mem>>
      %dma_start3A_47 = arith.constant 0 : i32
      %dma_start3A_48 = arith.constant 0 : i32
      %dma_start3A_49 = tpu.memref_slice %arg3[%add3A, %dma_start3A_47, %dma_start3A_48] : memref<32x125x80xi32, #tpu.memory_space<hbm>> -> memref<1x125x80xi32, #tpu.memory_space<hbm>>
      %dma_start3A_50 = tpu.memref_squeeze %dma_start3A_49 : memref<1x125x80xi32, #tpu.memory_space<hbm>> -> memref<125x80xi32, #tpu.memory_space<hbm>>
      %dma_start3A_51 = arith.constant 0 : i32
      %dma_start3A_52 = arith.constant 0 : i32
      %dma_start3A_53 = tpu.memref_slice %arg3[%add3A, %dma_start3A_51, %dma_start3A_52] : memref<32x125x80xi32, #tpu.memory_space<hbm>> -> memref<1x125x80xi32, #tpu.memory_space<hbm>>
      %dma_start3A_54 = tpu.memref_squeeze %dma_start3A_53 : memref<1x125x80xi32, #tpu.memory_space<hbm>> -> memref<125x80xi32, #tpu.memory_space<hbm>>
      tpu.enqueue_dma source(%dma_start3A_54 : memref<125x80xi32, #tpu.memory_space<hbm>>) target(%arg6 : memref<125x80xi32, #tpu.memory_space<vmem>>) target_semaphore(%run_scoped3A_46 : memref<!tpu.dma_semaphore, #tpu.memory_space<semaphore_mem>>)
      %dma_wait3A_55 = arith.constant 0 : i32
      %dma_wait3A_56 = arith.constant 0 : i32
      %dma_wait3A_57 = tpu.memref_slice %arg3[%add3A, %dma_wait3A_55, %dma_wait3A_56] : memref<32x125x80xi32, #tpu.memory_space<hbm>> -> memref<1x125x80xi32, #tpu.memory_space<hbm>>
      %dma_wait3A_58 = tpu.memref_squeeze %dma_wait3A_57 : memref<1x125x80xi32, #tpu.memory_space<hbm>> -> memref<125x80xi32, #tpu.memory_space<hbm>>
      %dma_wait3A_59 = arith.constant 0 : i32
      %dma_wait3A_60 = arith.constant 0 : i32
      %dma_wait3A_61 = tpu.memref_slice %arg3[%add3A, %dma_wait3A_59, %dma_wait3A_60] : memref<32x125x80xi32, #tpu.memory_space<hbm>> -> memref<1x125x80xi32, #tpu.memory_space<hbm>>
      %dma_wait3A_62 = tpu.memref_squeeze %dma_wait3A_61 : memref<1x125x80xi32, #tpu.memory_space<hbm>> -> memref<125x80xi32, #tpu.memory_space<hbm>>
      tpu.wait_dma2 semaphore(%run_scoped3A_46 : memref<!tpu.dma_semaphore, #tpu.memory_space<semaphore_mem>>) src(%dma_wait3A_62 : memref<125x80xi32, #tpu.memory_space<hbm>>) dst(%arg6 : memref<125x80xi32, #tpu.memory_space<vmem>>)
      tpu.yield
    }) : () -> ()
    "tpu.region"() ({
      %run_scoped3A_46 = tpu.sem_alloc : memref<!tpu.dma_semaphore, #tpu.memory_space<semaphore_mem>>
      %dma_start3A_47 = arith.constant 0 : i32
      %dma_start3A_48 = arith.constant 0 : i32
      %dma_start3A_49 = tpu.memref_slice %arg4[%add3A, %dma_start3A_47, %dma_start3A_48] : memref<32x125x80xi32, #tpu.memory_space<hbm>> -> memref<1x125x80xi32, #tpu.memory_space<hbm>>
      %dma_start3A_50 = tpu.memref_squeeze %dma_start3A_49 : memref<1x125x80xi32, #tpu.memory_space<hbm>> -> memref<125x80xi32, #tpu.memory_space<hbm>>
      %dma_start3A_51 = arith.constant 0 : i32
      %dma_start3A_52 = arith.constant 0 : i32
      %dma_start3A_53 = tpu.memref_slice %arg4[%add3A, %dma_start3A_51, %dma_start3A_52] : memref<32x125x80xi32, #tpu.memory_space<hbm>> -> memref<1x125x80xi32, #tpu.memory_space<hbm>>
      %dma_start3A_54 = tpu.memref_squeeze %dma_start3A_53 : memref<1x125x80xi32, #tpu.memory_space<hbm>> -> memref<125x80xi32, #tpu.memory_space<hbm>>
      tpu.enqueue_dma source(%dma_start3A_54 : memref<125x80xi32, #tpu.memory_space<hbm>>) target(%arg7 : memref<125x80xi32, #tpu.memory_space<vmem>>) target_semaphore(%run_scoped3A_46 : memref<!tpu.dma_semaphore, #tpu.memory_space<semaphore_mem>>)
      %dma_wait3A_55 = arith.constant 0 : i32
      %dma_wait3A_56 = arith.constant 0 : i32
      %dma_wait3A_57 = tpu.memref_slice %arg4[%add3A, %dma_wait3A_55, %dma_wait3A_56] : memref<32x125x80xi32, #tpu.memory_space<hbm>> -> memref<1x125x80xi32, #tpu.memory_space<hbm>>
      %dma_wait3A_58 = tpu.memref_squeeze %dma_wait3A_57 : memref<1x125x80xi32, #tpu.memory_space<hbm>> -> memref<125x80xi32, #tpu.memory_space<hbm>>
      %dma_wait3A_59 = arith.constant 0 : i32
      %dma_wait3A_60 = arith.constant 0 : i32
      %dma_wait3A_61 = tpu.memref_slice %arg4[%add3A, %dma_wait3A_59, %dma_wait3A_60] : memref<32x125x80xi32, #tpu.memory_space<hbm>> -> memref<1x125x80xi32, #tpu.memory_space<hbm>>
      %dma_wait3A_62 = tpu.memref_squeeze %dma_wait3A_61 : memref<1x125x80xi32, #tpu.memory_space<hbm>> -> memref<125x80xi32, #tpu.memory_space<hbm>>
      tpu.wait_dma2 semaphore(%run_scoped3A_46 : memref<!tpu.dma_semaphore, #tpu.memory_space<semaphore_mem>>) src(%dma_wait3A_62 : memref<125x80xi32, #tpu.memory_space<hbm>>) dst(%arg7 : memref<125x80xi32, #tpu.memory_space<vmem>>)
      tpu.yield
    }) : () -> ()
    %add3A_18 = arith.constant 5120 : i32
    %add3A_19 = arith.addi %add3A_18, %arg1 : i32
    %scan3A_20 = arith.constant 0 : i32
    %scan3A_21 = arith.constant 0 : i32
    %scan3A_22 = arith.constant 125 : i32
    %scan3A_23 = arith.addi %scan3A_21, %scan3A_22 : i32
    %scan3A_24 = arith.constant 1 : i32
    %scan3A_25 = scf.for %scan3A_46 = %scan3A_21 to %scan3A_23 step %scan3A_24 iter_args(%scan3A_47 = %scan3A_20) -> (i32)  : i32 {
      %get3A = arith.index_cast %scan3A_46 : i32 to index
      %get3A_48 = arith.constant 0 : index
      %get3A_49 = tpu.vector_load %arg7[%get3A, %get3A_48] {strides = array<i32>} : memref<125x80xi32, #tpu.memory_space<vmem>>, vector<16xi32>,
      %sub3A = arith.constant 5120 : i32
      %sub3A_50 = vector.broadcast %sub3A : i32 to vector<16xi32>
      %sub3A_51 = arith.subi %get3A_49, %sub3A_50 : vector<16xi32>
      %ge3A = arith.constant 0 : i32
      %ge3A_52 = vector.broadcast %ge3A : i32 to vector<16xi32>
      %ge3A_53 = arith.cmpi sge, %sub3A_51, %ge3A_52 : vector<16xi32>
      %lt3A = arith.constant 5120 : i32
      %lt3A_54 = vector.broadcast %lt3A : i32 to vector<16xi32>
      %lt3A_55 = arith.cmpi slt, %sub3A_51, %lt3A_54 : vector<16xi32>
      %and3A = arith.andi %ge3A_53, %lt3A_55 : vector<16xi1>
      %broadcast_in_dim3A = vector.broadcast %add3A_19 : i32 to vector<16xi32>
      %select_n3A = arith.select %and3A, %sub3A_51, %broadcast_in_dim3A : vector<16xi1>, vector<16xi32>
      %swap3A = arith.index_cast %scan3A_46 : i32 to index
      %swap3A_56 = arith.constant 0 : index
      %swap3A_57 = tpu.vector_load %arg7[%swap3A, %swap3A_56] {strides = array<i32>} : memref<125x80xi32, #tpu.memory_space<vmem>>, vector<16xi32>,
      tpu.vector_store %arg7[%swap3A, %swap3A_56], %select_n3A {strides = array<i32>} : memref<125x80xi32, #tpu.memory_space<vmem>>, vector<16xi32>,
      %get3A_58 = arith.index_cast %scan3A_46 : i32 to index
      %get3A_59 = arith.constant 16 : index
      %get3A_60 = tpu.vector_load %arg7[%get3A_58, %get3A_59] {strides = array<i32>} : memref<125x80xi32, #tpu.memory_space<vmem>>, vector<16xi32>,
      %sub3A_61 = arith.constant 5120 : i32
      %sub3A_62 = vector.broadcast %sub3A_61 : i32 to vector<16xi32>
      %sub3A_63 = arith.subi %get3A_60, %sub3A_62 : vector<16xi32>
      %ge3A_64 = arith.constant 0 : i32
      %ge3A_65 = vector.broadcast %ge3A_64 : i32 to vector<16xi32>
      %ge3A_66 = arith.cmpi sge, %sub3A_63, %ge3A_65 : vector<16xi32>
      %lt3A_67 = arith.constant 5120 : i32
      %lt3A_68 = vector.broadcast %lt3A_67 : i32 to vector<16xi32>
      %lt3A_69 = arith.cmpi slt, %sub3A_63, %lt3A_68 : vector<16xi32>
      %and3A_70 = arith.andi %ge3A_66, %lt3A_69 : vector<16xi1>
      %broadcast_in_dim3A_71 = vector.broadcast %add3A_19 : i32 to vector<16xi32>
      %select_n3A_72 = arith.select %and3A_70, %sub3A_63, %broadcast_in_dim3A_71 : vector<16xi1>, vector<16xi32>
      %swap3A_73 = arith.index_cast %scan3A_46 : i32 to index
      %swap3A_74 = arith.constant 16 : index
      %swap3A_75 = tpu.vector_load %arg7[%swap3A_73, %swap3A_74] {strides = array<i32>} : memref<125x80xi32, #tpu.memory_space<vmem>>, vector<16xi32>,
      tpu.vector_store %arg7[%swap3A_73, %swap3A_74], %select_n3A_72 {strides = array<i32>} : memref<125x80xi32, #tpu.memory_space<vmem>>, vector<16xi32>,
      %get3A_76 = arith.index_cast %scan3A_46 : i32 to index
      %get3A_77 = arith.constant 32 : index
      %get3A_78 = tpu.vector_load %arg7[%get3A_76, %get3A_77] {strides = array<i32>} : memref<125x80xi32, #tpu.memory_space<vmem>>, vector<16xi32>,
      %sub3A_79 = arith.constant 5120 : i32
      %sub3A_80 = vector.broadcast %sub3A_79 : i32 to vector<16xi32>
      %sub3A_81 = arith.subi %get3A_78, %sub3A_80 : vector<16xi32>
      %ge3A_82 = arith.constant 0 : i32
      %ge3A_83 = vector.broadcast %ge3A_82 : i32 to vector<16xi32>
      %ge3A_84 = arith.cmpi sge, %sub3A_81, %ge3A_83 : vector<16xi32>
      %lt3A_85 = arith.constant 5120 : i32
      %lt3A_86 = vector.broadcast %lt3A_85 : i32 to vector<16xi32>
      %lt3A_87 = arith.cmpi slt, %sub3A_81, %lt3A_86 : vector<16xi32>
      %and3A_88 = arith.andi %ge3A_84, %lt3A_87 : vector<16xi1>
      %broadcast_in_dim3A_89 = vector.broadcast %add3A_19 : i32 to vector<16xi32>
      %select_n3A_90 = arith.select %and3A_88, %sub3A_81, %broadcast_in_dim3A_89 : vector<16xi1>, vector<16xi32>
      %swap3A_91 = arith.index_cast %scan3A_46 : i32 to index
      %swap3A_92 = arith.constant 32 : index
      %swap3A_93 = tpu.vector_load %arg7[%swap3A_91, %swap3A_92] {strides = array<i32>} : memref<125x80xi32, #tpu.memory_space<vmem>>, vector<16xi32>,
      tpu.vector_store %arg7[%swap3A_91, %swap3A_92], %select_n3A_90 {strides = array<i32>} : memref<125x80xi32, #tpu.memory_space<vmem>>, vector<16xi32>,
      %get3A_94 = arith.index_cast %scan3A_46 : i32 to index
      %get3A_95 = arith.constant 48 : index
      %get3A_96 = tpu.vector_load %arg7[%get3A_94, %get3A_95] {strides = array<i32>} : memref<125x80xi32, #tpu.memory_space<vmem>>, vector<16xi32>,
      %sub3A_97 = arith.constant 5120 : i32
      %sub3A_98 = vector.broadcast %sub3A_97 : i32 to vector<16xi32>
      %sub3A_99 = arith.subi %get3A_96, %sub3A_98 : vector<16xi32>
      %ge3A_100 = arith.constant 0 : i32
      %ge3A_101 = vector.broadcast %ge3A_100 : i32 to vector<16xi32>
      %ge3A_102 = arith.cmpi sge, %sub3A_99, %ge3A_101 : vector<16xi32>
      %lt3A_103 = arith.constant 5120 : i32
      %lt3A_104 = vector.broadcast %lt3A_103 : i32 to vector<16xi32>
      %lt3A_105 = arith.cmpi slt, %sub3A_99, %lt3A_104 : vector<16xi32>
      %and3A_106 = arith.andi %ge3A_102, %lt3A_105 : vector<16xi1>
      %broadcast_in_dim3A_107 = vector.broadcast %add3A_19 : i32 to vector<16xi32>
      %select_n3A_108 = arith.select %and3A_106, %sub3A_99, %broadcast_in_dim3A_107 : vector<16xi1>, vector<16xi32>
      %swap3A_109 = arith.index_cast %scan3A_46 : i32 to index
      %swap3A_110 = arith.constant 48 : index
      %swap3A_111 = tpu.vector_load %arg7[%swap3A_109, %swap3A_110] {strides = array<i32>} : memref<125x80xi32, #tpu.memory_space<vmem>>, vector<16xi32>,
      tpu.vector_store %arg7[%swap3A_109, %swap3A_110], %select_n3A_108 {strides = array<i32>} : memref<125x80xi32, #tpu.memory_space<vmem>>, vector<16xi32>,
      %get3A_112 = arith.index_cast %scan3A_46 : i32 to index
      %get3A_113 = arith.constant 64 : index
      %get3A_114 = tpu.vector_load %arg7[%get3A_112, %get3A_113] {strides = array<i32>} : memref<125x80xi32, #tpu.memory_space<vmem>>, vector<16xi32>,
      %sub3A_115 = arith.constant 5120 : i32
      %sub3A_116 = vector.broadcast %sub3A_115 : i32 to vector<16xi32>
      %sub3A_117 = arith.subi %get3A_114, %sub3A_116 : vector<16xi32>
      %ge3A_118 = arith.constant 0 : i32
      %ge3A_119 = vector.broadcast %ge3A_118 : i32 to vector<16xi32>
      %ge3A_120 = arith.cmpi sge, %sub3A_117, %ge3A_119 : vector<16xi32>
      %lt3A_121 = arith.constant 5120 : i32
      %lt3A_122 = vector.broadcast %lt3A_121 : i32 to vector<16xi32>
      %lt3A_123 = arith.cmpi slt, %sub3A_117, %lt3A_122 : vector<16xi32>
      %and3A_124 = arith.andi %ge3A_120, %lt3A_123 : vector<16xi1>
      %broadcast_in_dim3A_125 = vector.broadcast %add3A_19 : i32 to vector<16xi32>
      %select_n3A_126 = arith.select %and3A_124, %sub3A_117, %broadcast_in_dim3A_125 : vector<16xi1>, vector<16xi32>
      %swap3A_127 = arith.index_cast %scan3A_46 : i32 to index
      %swap3A_128 = arith.constant 64 : index
      %swap3A_129 = tpu.vector_load %arg7[%swap3A_127, %swap3A_128] {strides = array<i32>} : memref<125x80xi32, #tpu.memory_space<vmem>>, vector<16xi32>,
      tpu.vector_store %arg7[%swap3A_127, %swap3A_128], %select_n3A_126 {strides = array<i32>} : memref<125x80xi32, #tpu.memory_space<vmem>>, vector<16xi32>,
      %scan3A_130 = arith.constant 0 : i32
      scf.yield %scan3A_130 : i32
    }
    %scan3A_26 = arith.constant 125 : i32
    %barrier3A = arith.constant 0 : index
    tpu.barrier barrier_id(%barrier3A)
    %dma_start3A = arith.constant 0 : i32
    %dma_start3A_27 = arith.constant 0 : i32
    %dma_start3A_28 = tpu.memref_slice %arg6[%dma_start3A, %dma_start3A_27] : memref<125x80xi32, #tpu.memory_space<vmem>> -> memref<1x80xi32, #tpu.memory_space<vmem>>
    %dma_start3A_29 = tpu.memref_squeeze %dma_start3A_28 : memref<1x80xi32, #tpu.memory_space<vmem>> -> memref<80xi32, #tpu.memory_space<vmem>>
    %dma_start3A_30 = arith.constant 0 : i32
    %dma_start3A_31 = arith.constant 0 : i32
    %dma_start3A_32 = tpu.memref_slice %arg2[%dma_start3A_30, %dma_start3A_31] : memref<10000x128xf32, #tpu.memory_space<hbm>> -> memref<10000x128xf32, #tpu.memory_space<hbm>>
    tpu.enqueue_indirect_dma source(%dma_start3A_32 : memref<10000x128xf32, #tpu.memory_space<hbm>>) target(%arg8 : memref<80x128xf32, #tpu.memory_space<vmem>>) offsets(%dma_start3A_29 : memref<80xi32, #tpu.memory_space<vmem>>) semaphore(%arg11 : memref<!tpu.dma_semaphore, #tpu.memory_space<semaphore_mem>>)
    %scan3A_33 = arith.constant 0 : i32
    %scan3A_34 = arith.constant 0 : i32
    %scan3A_35 = arith.constant 62 : i32
    %scan3A_36 = arith.addi %scan3A_34, %scan3A_35 : i32
    %scan3A_37 = arith.constant 1 : i32
    %scan3A_38 = scf.for %scan3A_46 = %scan3A_34 to %scan3A_36 step %scan3A_37 iter_args(%scan3A_47 = %scan3A_33) -> (i32)  : i32 {
      %mul3A_48 = arith.constant 2 : i32
      %mul3A_49 = arith.muli %mul3A_48, %scan3A_46 : i32
      %dma_wait3A_50 = arith.constant 0 : i32
      %dma_wait3A_51 = arith.constant 0 : i32
      %dma_wait3A_52 = tpu.memref_slice %arg2[%dma_wait3A_50, %dma_wait3A_51] : memref<10000x128xf32, #tpu.memory_space<hbm>> -> memref<80x128xf32, #tpu.memory_space<hbm>>
      %dma_wait3A_53 = arith.constant 0 : i32
      %dma_wait3A_54 = arith.constant 0 : i32
      %dma_wait3A_55 = tpu.memref_slice %arg2[%dma_wait3A_53, %dma_wait3A_54] : memref<10000x128xf32, #tpu.memory_space<hbm>> -> memref<80x128xf32, #tpu.memory_space<hbm>>
      tpu.wait_dma2 semaphore(%arg11 : memref<!tpu.dma_semaphore, #tpu.memory_space<semaphore_mem>>) src(%dma_wait3A_55 : memref<80x128xf32, #tpu.memory_space<hbm>>) dst(%arg8 : memref<80x128xf32, #tpu.memory_space<vmem>>)
      %add3A_56 = arith.constant 1 : i32
      %add3A_57 = arith.addi %mul3A_49, %add3A_56 : i32
      %dma_start3A_58 = arith.constant 0 : i32
      %dma_start3A_59 = tpu.memref_slice %arg6[%add3A_57, %dma_start3A_58] : memref<125x80xi32, #tpu.memory_space<vmem>> -> memref<1x80xi32, #tpu.memory_space<vmem>>
      %dma_start3A_60 = tpu.memref_squeeze %dma_start3A_59 : memref<1x80xi32, #tpu.memory_space<vmem>> -> memref<80xi32, #tpu.memory_space<vmem>>
      %dma_start3A_61 = arith.constant 0 : i32
      %dma_start3A_62 = arith.constant 0 : i32
      %dma_start3A_63 = tpu.memref_slice %arg2[%dma_start3A_61, %dma_start3A_62] : memref<10000x128xf32, #tpu.memory_space<hbm>> -> memref<10000x128xf32, #tpu.memory_space<hbm>>
      tpu.enqueue_indirect_dma source(%dma_start3A_63 : memref<10000x128xf32, #tpu.memory_space<hbm>>) target(%arg9 : memref<80x128xf32, #tpu.memory_space<vmem>>) offsets(%dma_start3A_60 : memref<80xi32, #tpu.memory_space<vmem>>) semaphore(%arg12 : memref<!tpu.dma_semaphore, #tpu.memory_space<semaphore_mem>>)
      "tpu.region"() ({
        %run_scoped3A_79 = tpu.sem_alloc : memref<!tpu.dma_semaphore, #tpu.memory_space<semaphore_mem>>
        %dma_start3A_80 = arith.constant 0 : i32
        %dma_start3A_81 = tpu.memref_slice %arg7[%mul3A_49, %dma_start3A_80] : memref<125x80xi32, #tpu.memory_space<vmem>> -> memref<1x80xi32, #tpu.memory_space<vmem>>
        %dma_start3A_82 = tpu.memref_squeeze %dma_start3A_81 : memref<1x80xi32, #tpu.memory_space<vmem>> -> memref<80xi32, #tpu.memory_space<vmem>>
        %dma_start3A_83 = arith.constant 0 : i32
        %dma_start3A_84 = arith.constant 0 : i32
        %dma_start3A_85 = tpu.memref_slice %arg13[%dma_start3A_83, %dma_start3A_84] : memref<5136x128xf32, #tpu.memory_space<vmem_shared>> -> memref<5136x128xf32, #tpu.memory_space<vmem_shared>>
        tpu.enqueue_indirect_dma source(%arg8 : memref<80x128xf32, #tpu.memory_space<vmem>>) target(%dma_start3A_85 : memref<5136x128xf32, #tpu.memory_space<vmem_shared>>) offsets(%dma_start3A_82 : memref<80xi32, #tpu.memory_space<vmem>>) semaphore(%run_scoped3A_79 : memref<!tpu.dma_semaphore, #tpu.memory_space<semaphore_mem>>) {add = true}
        %dma_wait3A_86 = arith.constant 0 : i32
        %dma_wait3A_87 = tpu.memref_slice %arg7[%mul3A_49, %dma_wait3A_86] : memref<125x80xi32, #tpu.memory_space<vmem>> -> memref<1x80xi32, #tpu.memory_space<vmem>>
        %dma_wait3A_88 = tpu.memref_squeeze %dma_wait3A_87 : memref<1x80xi32, #tpu.memory_space<vmem>> -> memref<80xi32, #tpu.memory_space<vmem>>
        %dma_wait3A_89 = arith.constant 0 : i32
        %dma_wait3A_90 = arith.constant 0 : i32
        %dma_wait3A_91 = tpu.memref_slice %arg13[%dma_wait3A_89, %dma_wait3A_90] : memref<5136x128xf32, #tpu.memory_space<vmem_shared>> -> memref<5136x128xf32, #tpu.memory_space<vmem_shared>>
        tpu.wait_indirect_dma semaphore(%run_scoped3A_79 : memref<!tpu.dma_semaphore, #tpu.memory_space<semaphore_mem>>) src(%arg8 : memref<80x128xf32, #tpu.memory_space<vmem>>) dst(%dma_wait3A_91 : memref<5136x128xf32, #tpu.memory_space<vmem_shared>>)
        tpu.yield
      }) : () -> ()
      %dma_wait3A_64 = arith.constant 0 : i32
      %dma_wait3A_65 = arith.constant 0 : i32
      %dma_wait3A_66 = tpu.memref_slice %arg2[%dma_wait3A_64, %dma_wait3A_65] : memref<10000x128xf32, #tpu.memory_space<hbm>> -> memref<80x128xf32, #tpu.memory_space<hbm>>
      %dma_wait3A_67 = arith.constant 0 : i32
      %dma_wait3A_68 = arith.constant 0 : i32
      %dma_wait3A_69 = tpu.memref_slice %arg2[%dma_wait3A_67, %dma_wait3A_68] : memref<10000x128xf32, #tpu.memory_space<hbm>> -> memref<80x128xf32, #tpu.memory_space<hbm>>
      tpu.wait_dma2 semaphore(%arg12 : memref<!tpu.dma_semaphore, #tpu.memory_space<semaphore_mem>>) src(%dma_wait3A_69 : memref<80x128xf32, #tpu.memory_space<hbm>>) dst(%arg9 : memref<80x128xf32, #tpu.memory_space<vmem>>)
      %add3A_70 = arith.constant 2 : i32
      %add3A_71 = arith.addi %mul3A_49, %add3A_70 : i32
      %lt3A = arith.constant 125 : i32
      %lt3A_72 = arith.cmpi slt, %add3A_71, %lt3A : i32
      %convert_element_type3A_73 = arith.extui %lt3A_72 : i1 to i32
      %cond3A_74 = arith.constant 0 : i32
      %cond3A_75 = arith.cmpi ne, %convert_element_type3A_73, %cond3A_74 : i32
      scf.if %cond3A_75 {
        %add3A_79 = arith.constant 2 : i32
        %add3A_80 = arith.addi %mul3A_49, %add3A_79 : i32
        %dma_start3A_81 = arith.constant 0 : i32
        %dma_start3A_82 = tpu.memref_slice %arg6[%add3A_80, %dma_start3A_81] : memref<125x80xi32, #tpu.memory_space<vmem>> -> memref<1x80xi32, #tpu.memory_space<vmem>>
        %dma_start3A_83 = tpu.memref_squeeze %dma_start3A_82 : memref<1x80xi32, #tpu.memory_space<vmem>> -> memref<80xi32, #tpu.memory_space<vmem>>
        %dma_start3A_84 = arith.constant 0 : i32
        %dma_start3A_85 = arith.constant 0 : i32
        %dma_start3A_86 = tpu.memref_slice %arg2[%dma_start3A_84, %dma_start3A_85] : memref<10000x128xf32, #tpu.memory_space<hbm>> -> memref<10000x128xf32, #tpu.memory_space<hbm>>
        tpu.enqueue_indirect_dma source(%dma_start3A_86 : memref<10000x128xf32, #tpu.memory_space<hbm>>) target(%arg8 : memref<80x128xf32, #tpu.memory_space<vmem>>) offsets(%dma_start3A_83 : memref<80xi32, #tpu.memory_space<vmem>>) semaphore(%arg11 : memref<!tpu.dma_semaphore, #tpu.memory_space<semaphore_mem>>)
      } else {
      }
      %add3A_76 = arith.constant 1 : i32
      %add3A_77 = arith.addi %mul3A_49, %add3A_76 : i32
      "tpu.region"() ({
        %run_scoped3A_79 = tpu.sem_alloc : memref<!tpu.dma_semaphore, #tpu.memory_space<semaphore_mem>>
        %dma_start3A_80 = arith.constant 0 : i32
        %dma_start3A_81 = tpu.memref_slice %arg7[%add3A_77, %dma_start3A_80] : memref<125x80xi32, #tpu.memory_space<vmem>> -> memref<1x80xi32, #tpu.memory_space<vmem>>
        %dma_start3A_82 = tpu.memref_squeeze %dma_start3A_81 : memref<1x80xi32, #tpu.memory_space<vmem>> -> memref<80xi32, #tpu.memory_space<vmem>>
        %dma_start3A_83 = arith.constant 0 : i32
        %dma_start3A_84 = arith.constant 0 : i32
        %dma_start3A_85 = tpu.memref_slice %arg13[%dma_start3A_83, %dma_start3A_84] : memref<5136x128xf32, #tpu.memory_space<vmem_shared>> -> memref<5136x128xf32, #tpu.memory_space<vmem_shared>>
        tpu.enqueue_indirect_dma source(%arg9 : memref<80x128xf32, #tpu.memory_space<vmem>>) target(%dma_start3A_85 : memref<5136x128xf32, #tpu.memory_space<vmem_shared>>) offsets(%dma_start3A_82 : memref<80xi32, #tpu.memory_space<vmem>>) semaphore(%run_scoped3A_79 : memref<!tpu.dma_semaphore, #tpu.memory_space<semaphore_mem>>) {add = true}
        %dma_wait3A_86 = arith.constant 0 : i32
        %dma_wait3A_87 = tpu.memref_slice %arg7[%add3A_77, %dma_wait3A_86] : memref<125x80xi32, #tpu.memory_space<vmem>> -> memref<1x80xi32, #tpu.memory_space<vmem>>
        %dma_wait3A_88 = tpu.memref_squeeze %dma_wait3A_87 : memref<1x80xi32, #tpu.memory_space<vmem>> -> memref<80xi32, #tpu.memory_space<vmem>>
        %dma_wait3A_89 = arith.constant 0 : i32
        %dma_wait3A_90 = arith.constant 0 : i32
        %dma_wait3A_91 = tpu.memref_slice %arg13[%dma_wait3A_89, %dma_wait3A_90] : memref<5136x128xf32, #tpu.memory_space<vmem_shared>> -> memref<5136x128xf32, #tpu.memory_space<vmem_shared>>
        tpu.wait_indirect_dma semaphore(%run_scoped3A_79 : memref<!tpu.dma_semaphore, #tpu.memory_space<semaphore_mem>>) src(%arg9 : memref<80x128xf32, #tpu.memory_space<vmem>>) dst(%dma_wait3A_91 : memref<5136x128xf32, #tpu.memory_space<vmem_shared>>)
        tpu.yield
      }) : () -> ()
      %scan3A_78 = arith.constant 0 : i32
      scf.yield %scan3A_78 : i32
    }
    %scan3A_39 = arith.constant 62 : i32
    %dma_wait3A = arith.constant 0 : i32
    %dma_wait3A_40 = arith.constant 0 : i32
    %dma_wait3A_41 = tpu.memref_slice %arg2[%dma_wait3A, %dma_wait3A_40] : memref<10000x128xf32, #tpu.memory_space<hbm>> -> memref<80x128xf32, #tpu.memory_space<hbm>>
    %dma_wait3A_42 = arith.constant 0 : i32
    %dma_wait3A_43 = arith.constant 0 : i32
    %dma_wait3A_44 = tpu.memref_slice %arg2[%dma_wait3A_42, %dma_wait3A_43] : memref<10000x128xf32, #tpu.memory_space<hbm>> -> memref<80x128xf32, #tpu.memory_space<hbm>>
    tpu.wait_dma2 semaphore(%arg11 : memref<!tpu.dma_semaphore, #tpu.memory_space<semaphore_mem>>) src(%dma_wait3A_44 : memref<80x128xf32, #tpu.memory_space<hbm>>) dst(%arg8 : memref<80x128xf32, #tpu.memory_space<vmem>>)
    %run_scoped3A = arith.constant 124 : i32
    "tpu.region"() ({
      %run_scoped3A_46 = tpu.sem_alloc : memref<!tpu.dma_semaphore, #tpu.memory_space<semaphore_mem>>
      %dma_start3A_47 = arith.constant 0 : i32
      %dma_start3A_48 = tpu.memref_slice %arg7[%run_scoped3A, %dma_start3A_47] : memref<125x80xi32, #tpu.memory_space<vmem>> -> memref<1x80xi32, #tpu.memory_space<vmem>>
      %dma_start3A_49 = tpu.memref_squeeze %dma_start3A_48 : memref<1x80xi32, #tpu.memory_space<vmem>> -> memref<80xi32, #tpu.memory_space<vmem>>
      %dma_start3A_50 = arith.constant 0 : i32
      %dma_start3A_51 = arith.constant 0 : i32
      %dma_start3A_52 = tpu.memref_slice %arg13[%dma_start3A_50, %dma_start3A_51] : memref<5136x128xf32, #tpu.memory_space<vmem_shared>> -> memref<5136x128xf32, #tpu.memory_space<vmem_shared>>
      tpu.enqueue_indirect_dma source(%arg8 : memref<80x128xf32, #tpu.memory_space<vmem>>) target(%dma_start3A_52 : memref<5136x128xf32, #tpu.memory_space<vmem_shared>>) offsets(%dma_start3A_49 : memref<80xi32, #tpu.memory_space<vmem>>) semaphore(%run_scoped3A_46 : memref<!tpu.dma_semaphore, #tpu.memory_space<semaphore_mem>>) {add = true}
      %dma_wait3A_53 = arith.constant 0 : i32
      %dma_wait3A_54 = tpu.memref_slice %arg7[%run_scoped3A, %dma_wait3A_53] : memref<125x80xi32, #tpu.memory_space<vmem>> -> memref<1x80xi32, #tpu.memory_space<vmem>>
      %dma_wait3A_55 = tpu.memref_squeeze %dma_wait3A_54 : memref<1x80xi32, #tpu.memory_space<vmem>> -> memref<80xi32, #tpu.memory_space<vmem>>
      %dma_wait3A_56 = arith.constant 0 : i32
      %dma_wait3A_57 = arith.constant 0 : i32
      %dma_wait3A_58 = tpu.memref_slice %arg13[%dma_wait3A_56, %dma_wait3A_57] : memref<5136x128xf32, #tpu.memory_space<vmem_shared>> -> memref<5136x128xf32, #tpu.memory_space<vmem_shared>>
      tpu.wait_indirect_dma semaphore(%run_scoped3A_46 : memref<!tpu.dma_semaphore, #tpu.memory_space<semaphore_mem>>) src(%arg8 : memref<80x128xf32, #tpu.memory_space<vmem>>) dst(%dma_wait3A_58 : memref<5136x128xf32, #tpu.memory_space<vmem_shared>>)
      tpu.yield
    }) : () -> ()
    %barrier3A_45 = arith.constant 0 : index
    tpu.barrier barrier_id(%barrier3A_45)
    "tpu.region"() ({
      %run_scoped3A_46 = tpu.sem_alloc : memref<!tpu.dma_semaphore, #tpu.memory_space<semaphore_mem>>
      %dma_start3A_47 = arith.constant 0 : i32
      %dma_start3A_48 = tpu.memref_slice %arg5[%arg0, %mul3A_8, %dma_start3A_47] : memref<2x5120x128xf32, #tpu.memory_space<hbm>> -> memref<1x320x128xf32, #tpu.memory_space<hbm>>
      %dma_start3A_49 = tpu.memref_squeeze %dma_start3A_48 : memref<1x320x128xf32, #tpu.memory_space<hbm>> -> memref<320x128xf32, #tpu.memory_space<hbm>>
      %dma_start3A_50 = arith.constant 0 : i32
      %dma_start3A_51 = tpu.memref_slice %arg13[%mul3A_8, %dma_start3A_50] : memref<5136x128xf32, #tpu.memory_space<vmem_shared>> -> memref<320x128xf32, #tpu.memory_space<vmem_shared>>
      tpu.enqueue_dma source(%dma_start3A_51 : memref<320x128xf32, #tpu.memory_space<vmem_shared>>) target(%dma_start3A_49 : memref<320x128xf32, #tpu.memory_space<hbm>>) target_semaphore(%run_scoped3A_46 : memref<!tpu.dma_semaphore, #tpu.memory_space<semaphore_mem>>)
      %dma_wait3A_52 = arith.constant 0 : i32
      %dma_wait3A_53 = tpu.memref_slice %arg5[%arg0, %mul3A_8, %dma_wait3A_52] : memref<2x5120x128xf32, #tpu.memory_space<hbm>> -> memref<1x320x128xf32, #tpu.memory_space<hbm>>
      %dma_wait3A_54 = tpu.memref_squeeze %dma_wait3A_53 : memref<1x320x128xf32, #tpu.memory_space<hbm>> -> memref<320x128xf32, #tpu.memory_space<hbm>>
      %dma_wait3A_55 = arith.constant 0 : i32
      %dma_wait3A_56 = tpu.memref_slice %arg13[%mul3A_8, %dma_wait3A_55] : memref<5136x128xf32, #tpu.memory_space<vmem_shared>> -> memref<320x128xf32, #tpu.memory_space<vmem_shared>>
      tpu.wait_dma2 semaphore(%run_scoped3A_46 : memref<!tpu.dma_semaphore, #tpu.memory_space<semaphore_mem>>) src(%dma_wait3A_56 : memref<320x128xf32, #tpu.memory_space<vmem_shared>>) dst(%dma_wait3A_54 : memref<320x128xf32, #tpu.memory_space<hbm>>)
      tpu.yield
    }) : () -> ()
    return
  }
}

#map = affine_map<(d0, d1) -> (0, 0, 0)>
#map1 = affine_map<(d0, d1) -> (0, 0)>
module attributes {stable_mosaic.version = 14 : i64} {
  func.func @_sc_counts_body(%arg0: i32, %arg1: i32, %arg2: memref<32x125x80xi32, #tpu.memory_space<hbm>>, %arg3: memref<32x10240xf32, #tpu.memory_space<hbm>>, %arg4: memref<125x80xi32, #tpu.memory_space<vmem>>, %arg5: memref<10240xf32, #tpu.memory_space<vmem>>) attributes {dimension_semantics = [#tpu.dimension_semantics<core_parallel>, #tpu.dimension_semantics<subcore_parallel>], iteration_bounds = array<i64: 2, 16>, scalar_prefetch = 0 : i64, scratch_operands = 2 : i64, tpu.core_type = #tpu.core_type<sc_vector_subcore>, window_params = [{transform_indices = #map}, {transform_indices = #map1}]} {
    %mul3A = arith.constant 2 : i32
    %mul3A_0 = arith.muli %arg1, %mul3A : i32
    %add3A = arith.addi %mul3A_0, %arg0 : i32
    "tpu.region"() ({
      %run_scoped3A = tpu.sem_alloc : memref<!tpu.dma_semaphore, #tpu.memory_space<semaphore_mem>>
      %dma_start3A = arith.constant 0 : i32
      %dma_start3A_15 = arith.constant 0 : i32
      %dma_start3A_16 = tpu.memref_slice %arg2[%add3A, %dma_start3A, %dma_start3A_15] : memref<32x125x80xi32, #tpu.memory_space<hbm>> -> memref<1x125x80xi32, #tpu.memory_space<hbm>>
      %dma_start3A_17 = tpu.memref_squeeze %dma_start3A_16 : memref<1x125x80xi32, #tpu.memory_space<hbm>> -> memref<125x80xi32, #tpu.memory_space<hbm>>
      %dma_start3A_18 = arith.constant 0 : i32
      %dma_start3A_19 = arith.constant 0 : i32
      %dma_start3A_20 = tpu.memref_slice %arg2[%add3A, %dma_start3A_18, %dma_start3A_19] : memref<32x125x80xi32, #tpu.memory_space<hbm>> -> memref<1x125x80xi32, #tpu.memory_space<hbm>>
      %dma_start3A_21 = tpu.memref_squeeze %dma_start3A_20 : memref<1x125x80xi32, #tpu.memory_space<hbm>> -> memref<125x80xi32, #tpu.memory_space<hbm>>
      tpu.enqueue_dma source(%dma_start3A_21 : memref<125x80xi32, #tpu.memory_space<hbm>>) target(%arg4 : memref<125x80xi32, #tpu.memory_space<vmem>>) target_semaphore(%run_scoped3A : memref<!tpu.dma_semaphore, #tpu.memory_space<semaphore_mem>>)
      %dma_wait3A = arith.constant 0 : i32
      %dma_wait3A_22 = arith.constant 0 : i32
      %dma_wait3A_23 = tpu.memref_slice %arg2[%add3A, %dma_wait3A, %dma_wait3A_22] : memref<32x125x80xi32, #tpu.memory_space<hbm>> -> memref<1x125x80xi32, #tpu.memory_space<hbm>>
      %dma_wait3A_24 = tpu.memref_squeeze %dma_wait3A_23 : memref<1x125x80xi32, #tpu.memory_space<hbm>> -> memref<125x80xi32, #tpu.memory_space<hbm>>
      %dma_wait3A_25 = arith.constant 0 : i32
      %dma_wait3A_26 = arith.constant 0 : i32
      %dma_wait3A_27 = tpu.memref_slice %arg2[%add3A, %dma_wait3A_25, %dma_wait3A_26] : memref<32x125x80xi32, #tpu.memory_space<hbm>> -> memref<1x125x80xi32, #tpu.memory_space<hbm>>
      %dma_wait3A_28 = tpu.memref_squeeze %dma_wait3A_27 : memref<1x125x80xi32, #tpu.memory_space<hbm>> -> memref<125x80xi32, #tpu.memory_space<hbm>>
      tpu.wait_dma2 semaphore(%run_scoped3A : memref<!tpu.dma_semaphore, #tpu.memory_space<semaphore_mem>>) src(%dma_wait3A_28 : memref<125x80xi32, #tpu.memory_space<hbm>>) dst(%arg4 : memref<125x80xi32, #tpu.memory_space<vmem>>)
      tpu.yield
    }) : () -> ()
    %scan3A = arith.constant 0 : i32
    %scan3A_1 = arith.constant 0 : i32
    %scan3A_2 = arith.constant 640 : i32
    %scan3A_3 = arith.addi %scan3A_1, %scan3A_2 : i32
    %scan3A_4 = arith.constant 1 : i32
    %scan3A_5 = scf.for %scan3A_15 = %scan3A_1 to %scan3A_3 step %scan3A_4 iter_args(%scan3A_16 = %scan3A) -> (i32)  : i32 {
      %broadcast_in_dim3A_17 = arith.constant 0.000000e+00 : f32
      %broadcast_in_dim3A_18 = vector.broadcast %broadcast_in_dim3A_17 : f32 to vector<16xf32>
      %mul3A_19 = arith.constant 16 : i32
      %mul3A_20 = arith.muli %scan3A_15, %mul3A_19 : i32
      %swap3A = arith.index_cast %mul3A_20 : i32 to index
      %swap3A_21 = tpu.vector_load %arg5[%swap3A] {strides = array<i32>} : memref<10240xf32, #tpu.memory_space<vmem>>, vector<16xf32>,
      tpu.vector_store %arg5[%swap3A], %broadcast_in_dim3A_18 {strides = array<i32>} : memref<10240xf32, #tpu.memory_space<vmem>>, vector<16xf32>,
      %scan3A_22 = arith.constant 0 : i32
      scf.yield %scan3A_22 : i32
    }
    %scan3A_6 = arith.constant 640 : i32
    %broadcast_in_dim3A = arith.constant 1.000000e+00 : f32
    %broadcast_in_dim3A_7 = vector.broadcast %broadcast_in_dim3A : f32 to vector<16xf32>
    %scan3A_8 = arith.constant 0 : i32
    %scan3A_9 = arith.constant 0 : i32
    %scan3A_10 = arith.constant 125 : i32
    %scan3A_11 = arith.addi %scan3A_9, %scan3A_10 : i32
    %scan3A_12 = arith.constant 1 : i32
    %scan3A_13 = scf.for %scan3A_15 = %scan3A_9 to %scan3A_11 step %scan3A_12 iter_args(%scan3A_16 = %scan3A_8) -> (i32)  : i32 {
      %get3A = arith.index_cast %scan3A_15 : i32 to index
      %get3A_17 = arith.constant 0 : index
      %get3A_18 = tpu.vector_load %arg4[%get3A, %get3A_17] {strides = array<i32>} : memref<125x80xi32, #tpu.memory_space<vmem>>, vector<16xi32>,
      tpu.vector_store_idx %arg5[%get3A_18], %broadcast_in_dim3A_7 {add = true} : memref<10240xf32, #tpu.memory_space<vmem>>[vector<16xi32>], vector<16xf32>,
      %get3A_19 = arith.index_cast %scan3A_15 : i32 to index
      %get3A_20 = arith.constant 16 : index
      %get3A_21 = tpu.vector_load %arg4[%get3A_19, %get3A_20] {strides = array<i32>} : memref<125x80xi32, #tpu.memory_space<vmem>>, vector<16xi32>,
      tpu.vector_store_idx %arg5[%get3A_21], %broadcast_in_dim3A_7 {add = true} : memref<10240xf32, #tpu.memory_space<vmem>>[vector<16xi32>], vector<16xf32>,
      %get3A_22 = arith.index_cast %scan3A_15 : i32 to index
      %get3A_23 = arith.constant 32 : index
      %get3A_24 = tpu.vector_load %arg4[%get3A_22, %get3A_23] {strides = array<i32>} : memref<125x80xi32, #tpu.memory_space<vmem>>, vector<16xi32>,
      tpu.vector_store_idx %arg5[%get3A_24], %broadcast_in_dim3A_7 {add = true} : memref<10240xf32, #tpu.memory_space<vmem>>[vector<16xi32>], vector<16xf32>,
      %get3A_25 = arith.index_cast %scan3A_15 : i32 to index
      %get3A_26 = arith.constant 48 : index
      %get3A_27 = tpu.vector_load %arg4[%get3A_25, %get3A_26] {strides = array<i32>} : memref<125x80xi32, #tpu.memory_space<vmem>>, vector<16xi32>,
      tpu.vector_store_idx %arg5[%get3A_27], %broadcast_in_dim3A_7 {add = true} : memref<10240xf32, #tpu.memory_space<vmem>>[vector<16xi32>], vector<16xf32>,
      %get3A_28 = arith.index_cast %scan3A_15 : i32 to index
      %get3A_29 = arith.constant 64 : index
      %get3A_30 = tpu.vector_load %arg4[%get3A_28, %get3A_29] {strides = array<i32>} : memref<125x80xi32, #tpu.memory_space<vmem>>, vector<16xi32>,
      tpu.vector_store_idx %arg5[%get3A_30], %broadcast_in_dim3A_7 {add = true} : memref<10240xf32, #tpu.memory_space<vmem>>[vector<16xi32>], vector<16xf32>,
      %scan3A_31 = arith.constant 0 : i32
      scf.yield %scan3A_31 : i32
    }
    %scan3A_14 = arith.constant 125 : i32
    "tpu.region"() ({
      %run_scoped3A = tpu.sem_alloc : memref<!tpu.dma_semaphore, #tpu.memory_space<semaphore_mem>>
      %dma_start3A = arith.constant 0 : i32
      %dma_start3A_15 = tpu.memref_slice %arg3[%add3A, %dma_start3A] : memref<32x10240xf32, #tpu.memory_space<hbm>> -> memref<1x10240xf32, #tpu.memory_space<hbm>>
      %dma_start3A_16 = tpu.memref_squeeze %dma_start3A_15 : memref<1x10240xf32, #tpu.memory_space<hbm>> -> memref<10240xf32, #tpu.memory_space<hbm>>
      %dma_start3A_17 = arith.constant 0 : i32
      %dma_start3A_18 = tpu.memref_slice %arg3[%add3A, %dma_start3A_17] : memref<32x10240xf32, #tpu.memory_space<hbm>> -> memref<1x10240xf32, #tpu.memory_space<hbm>>
      %dma_start3A_19 = tpu.memref_squeeze %dma_start3A_18 : memref<1x10240xf32, #tpu.memory_space<hbm>> -> memref<10240xf32, #tpu.memory_space<hbm>>
      tpu.enqueue_dma source(%arg5 : memref<10240xf32, #tpu.memory_space<vmem>>) target(%dma_start3A_19 : memref<10240xf32, #tpu.memory_space<hbm>>) target_semaphore(%run_scoped3A : memref<!tpu.dma_semaphore, #tpu.memory_space<semaphore_mem>>)
      %dma_wait3A = arith.constant 0 : i32
      %dma_wait3A_20 = tpu.memref_slice %arg3[%add3A, %dma_wait3A] : memref<32x10240xf32, #tpu.memory_space<hbm>> -> memref<1x10240xf32, #tpu.memory_space<hbm>>
      %dma_wait3A_21 = tpu.memref_squeeze %dma_wait3A_20 : memref<1x10240xf32, #tpu.memory_space<hbm>> -> memref<10240xf32, #tpu.memory_space<hbm>>
      %dma_wait3A_22 = arith.constant 0 : i32
      %dma_wait3A_23 = tpu.memref_slice %arg3[%add3A, %dma_wait3A_22] : memref<32x10240xf32, #tpu.memory_space<hbm>> -> memref<1x10240xf32, #tpu.memory_space<hbm>>
      %dma_wait3A_24 = tpu.memref_squeeze %dma_wait3A_23 : memref<1x10240xf32, #tpu.memory_space<hbm>> -> memref<10240xf32, #tpu.memory_space<hbm>>
      tpu.wait_dma2 semaphore(%run_scoped3A : memref<!tpu.dma_semaphore, #tpu.memory_space<semaphore_mem>>) src(%arg5 : memref<10240xf32, #tpu.memory_space<vmem>>) dst(%dma_wait3A_24 : memref<10240xf32, #tpu.memory_space<hbm>>)
      tpu.yield
    }) : () -> ()
    return
  }
}

</mosaic_0001>

<sc_bundles>
// kernel: _sc_segment.11.cloned.1.call-start
scs
__scs_entry_jumppad:
0x0: {  	(pc) =	sbr.rel $0x88, $3  }
0x1: {  	(tag) =	ssettag $0x0;
	lr =	simm.s32 $0x1  }
0x2: {  	[smem:$0x3F9E] =	sst lr;
	_ =	strace $0xD0000000  }
0x3: {  	_ = 	snop  }
0x4: {  	_ = 	snop  }
0x5: {  	_ = 	snop  }
0x6: {  	_ = 	snop  }
0x7: {  	_ = 	snop  }
__scs_overlays_trampoline_lowered:
0x8: {  	[smem:$0x3FAD] =	sst s0  }
0x9: {  	[smem:$0x3FAE] =	sst s1  }
0xa: {  	[smem:$0x3FAF] =	sst s2  }
0xb: {  	[smem:$0x3FB0] =	sst s3  }
0xc: {  	[smem:$0x3FB1] =	sst s4  }
0xd: {  	[smem:$0x3FB2] =	sst s5  }
0xe: {  	[smem:$0x3FB3] =	sst s6  }
0xf: {  	[smem:$0x3FB4] =	sst s7  }
0x10: {  	[smem:$0x3FB5] =	sst s8  }
0x11: {  	[smem:$0x3FB6] =	sst s9;
	s0 =	simm.s32 @!p0 $0x0  }
0x12: {  	s1 =	sld [smem:$0x3F9C];
	s0 =	simm.s32 @p0 $0x1  }
0x13: {  	[smem:$0x3FB7] =	sst s0;
	s0 =	simm.s32 @!p1 $0x0  }
0x14: {  	s2 =	sld [smem:$0x3F9B];
	s0 =	simm.s32 @p1 $0x1  }
0x15: {  	[smem:$0x3FB8] =	sst s0;
	s0 =	simm.s32 @!p2 $0x0  }
0x16: {  	s3 =	sld [smem:$0x3FDB];
	s0 =	simm.s32 @p2 $0x1  }
0x17: {  	s4 =	simm.s32 $0x1BF5;
	[smem:$0x3FBA] =	sst s0  }
0x18: {  	s0 =	sld [smem:$0x3F9D];
	_ =	swait.ge [sflag:s4], $0x0  }
0x19: {  	s7 =	sld [smem:$0x3F9E]  }
0x1a: {  	s8 =	sadd.s32 $0xFFFFE003, lr  }
0x1b: {  	s9 =	sadd.s32 $0xFFFFFEF7, lr;
	s5 =	simm.s32 $0xFFFFFFFF;
	p2 =	slt.u32 s8, $0xFFFFF086  }
0x1c: {  	p1 =	slt.u32 s9, $0xF7A;
	s5 =	simm.s32 @!p2 $0x0  }
0x1d: {  	s5 =	simm.s32 @p1 $0x1;
	p0 =	seq.s32 s7, s2  }
0x1e: {  	s7 =	smul.u32 @!p0 $0xF7A, s2;
	p2 =	seq.s32 @!p0 s5, $0x0  }
0x1f: {  	s9 =	smul.u32 $0xF7A, s1;
	s8 =	simm.s32 @!p0 $0x1BF5;
	p2 =	por !p2, p0  }
0x20: {  	[sflag:s8] =	ssyncset.s32 @!p0 $0xFFFFF086;
	s6 =	sadd.s32 @!p0 s3, s7;
	s7 =	simm.s32 @!p0 $0x108  }
0x21: {  	s3 =	sadd.s32 s3, s9;
	s6 =	sadd.s32 @!p0 $0x88, s6;
	s7 =	simm.s32 @p2 $0x1082  }
0x22: {  	[simem:s7], [sflag:s8] =	dma.local @!p0 [hbm:s6], $0xF7A  }
0x23: {  	s9 =	sor.u32 $0xD0000000, s2;
	s6 =	simm.s32 $0x108;
	_ =	swait.ge @!p0 [sflag:s8], $0x0  }
0x24: {  	s3 =	sadd.s32 $0x88, s3;
	s6 =	simm.s32 @!p1 $0x1082;
	[sflag:s4] =	ssyncset.s32 $0xFFFFF086  }
0x25: {  	[simem:s6], [sflag:s4] =	dma.local [hbm:s3], $0xF7A  }
0x26: {  	[smem:$0x3F9E] =	sst s1;
	(tag) =	ssettag s2;
	_ =	strace s9  }
0x27: {  	s1 =	sld [smem:$0x3FAE]  }
0x28: {  	s2 =	sld [smem:$0x3FAF]  }
0x29: {  	s4 =	sld [smem:$0x3FB1]  }
0x2a: {  	p0 =	seq.s32 s5, $0x0;
	s5 =	sld [smem:$0x3FB2]  }
0x2b: {  	s6 =	sld [smem:$0x3FB3]  }
0x2c: {  	s7 =	sld [smem:$0x3FB4]  }
0x2d: {  	s3 =	simm.s32 $0x108;
	s8 =	sld [smem:$0x3FB5]  }
0x2e: {  	s3 =	simm.s32 @!p0 $0x1082;
	s9 =	sld [smem:$0x3FB6]  }
0x2f: {  	lr =	sadd.s32 s0, s3;
	s0 =	sld [smem:$0x3FAD]  }
0x30: {  	s3 =	sld [smem:$0x3FB0]  }
0x31: {  	[smem:$0x3FB9] =	sst s10  }
0x32: {  	s10 =	sld [smem:$0x3FB7];
	_ =	sdelay $0x3  }
0x33: {  	p0 =	seq.s32 s10, $0x1;
	s10 =	sld [smem:$0x3FB9];
	_ =	sdelay $0x3  }
0x34: {  	[smem:$0x3FB9] =	sst s10  }
0x35: {  	s10 =	sld [smem:$0x3FB8];
	_ =	sdelay $0x3  }
0x36: {  	p1 =	seq.s32 s10, $0x1;
	s10 =	sld [smem:$0x3FB9];
	_ =	sdelay $0x3  }
0x37: {  	[smem:$0x3FB9] =	sst s10  }
0x38: {  	s10 =	sld [smem:$0x3FBA]  }
0x39: {  	_ = 	snop;
	(pc) =	sbr.ind lr, $3  }
0x3a: {  	_ = 	snop  }
0x3b: {  	_ = 	snop  }
0x3c: {  	p2 =	seq.s32 s10, $0x1;
	s10 =	sld [smem:$0x3FB9]  }
0x3d: {  	_ =	shalt  }
0x3e: {  	_ =	shalt  }
0x3f: {  	_ =	shalt  }
0x40: {  	_ =	shalt  }
0x41: {  	_ =	shalt  }
0x42: {  	_ =	shalt  }
0x43: {  	_ =	shalt  }
0x44: {  	_ =	shalt  }
0x45: {  	_ =	shalt  }
0x46: {  	_ =	shalt  }
0x47: {  	_ =	shalt  }
0x48: {  	_ =	shalt  }
0x49: {  	_ =	shalt  }
0x4a: {  	_ =	shalt  }
0x4b: {  	_ =	shalt  }
0x4c: {  	_ =	shalt  }
0x4d: {  	_ =	shalt  }
0x4e: {  	_ =	shalt  }
0x4f: {  	_ =	shalt  }
0x50: {  	_ =	shalt  }
0x51: {  	_ =	shalt  }
0x52: {  	_ =	shalt  }
0x53: {  	_ =	shalt  }
0x54: {  	_ =	shalt  }
0x55: {  	_ =	shalt  }
0x56: {  	_ =	shalt  }
0x57: {  	_ =	shalt  }
0x58: {  	_ =	shalt  }
0x59: {  	_ =	shalt  }
0x5a: {  	_ =	shalt  }
0x5b: {  	_ =	shalt  }
0x5c: {  	_ =	shalt  }
0x5d: {  	_ =	shalt  }
0x5e: {  	_ =	shalt  }
0x5f: {  	_ =	shalt  }
0x60: {  	_ =	shalt  }
0x61: {  	_ =	shalt  }
0x62: {  	_ =	shalt  }
0x63: {  	_ =	shalt  }
0x64: {  	_ =	shalt  }
0x65: {  	_ =	shalt  }
0x66: {  	_ =	shalt  }
0x67: {  	_ =	shalt  }
0x68: {  	_ =	shalt  }
0x69: {  	_ =	shalt  }
0x6a: {  	_ =	shalt  }
0x6b: {  	_ =	shalt  }
0x6c: {  	_ =	shalt  }
0x6d: {  	_ =	shalt  }
0x6e: {  	_ =	shalt  }
0x6f: {  	_ =	shalt  }
0x70: {  	_ =	shalt  }
0x71: {  	_ =	shalt  }
0x72: {  	_ =	shalt  }
0x73: {  	_ =	shalt  }
0x74: {  	_ =	shalt  }
0x75: {  	_ =	shalt  }
0x76: {  	_ =	shalt  }
0x77: {  	_ =	shalt  }
0x78: {  	_ =	shalt  }
0x79: {  	_ =	shalt  }
0x7a: {  	_ =	shalt  }
0x7b: {  	_ =	shalt  }
0x7c: {  	_ =	shalt  }
0x7d: {  	_ =	shalt  }
0x7e: {  	_ =	shalt  }
0x7f: {  	_ =	shalt  }
0x80: {  	_ =	shalt  }
0x81: {  	_ =	shalt  }
0x82: {  	_ =	shalt  }
0x83: {  	_ =	shalt  }
0x84: {  	_ =	shalt  }
0x85: {  	_ =	shalt  }
0x86: {  	_ =	shalt  }
0x87: {  	_ =	shalt  }
.Lfunc_end0:
.L_simem_size_0:
called_computation.2_lowered:
.L_overlay_start_0:
0x88: {  	s2 =	sld [smem:$0x3FD9]  }
0x89: {  	s3 =	sld [smem:$0x3FFE];
	_ =	sdelay $0x1  }
0x8a: {  	s1 =	srdreg.scid  }
0x8b: {  	s0 =	sand.u32 $0x1, s1  }
0x8c: {  	s14 =	sshll.u32 s0, $0xA;
	s2 =	sadd.s32 s3, s2  }
0x8d: {  	s2 =	sadd.s32 s2, s14  }
0x8e: {  	[smem:$0x3FC5] =	sst s2  }
0x8f: {  	_ = 	snop  }
0x90: {  	s2 =	sld [smem:$0x3FD0];
	_ =	sdelay $0x2  }
0x91: {  	s4 =	simm.s32 $0xC;
	s5 =	simm.s32 $0x10;
	s15 =	sld [smem:$0x3FC9]  }
0x92: {  	[smem:s5], [sflag:s4] =	dma.local [hbm:s2], $0x1  }
0x93: {  	_ =	swait.eq [sflag:s4], $0x1  }
0x94: {  	[sflag:s4] =	ssyncset.done $0x0  }
0x95: {  	[sflag:s4] =	ssyncadd.s32 $0xFFFFFFFF  }
0x96: {  	s16 =	sld [smem:$0x10];
	(tm) =	ssettm $0x1  }
0x97: {  	s17 =	sld [smem:$0x3FFB];
	_ =	sdelay $0x3  }
0x98: {  	_ =	strace s17  }
0x99: {  	s4 =	sld [smem:$0x3FFC];
	_ =	sdelay $0x3  }
0x9a: {  	_ =	strace s4  }
0x9b: {  	s4 =	sld [smem:$0x3FFD];
	_ =	sdelay $0x3  }
0x9c: {  	_ =	strace s4  }
0x9d: {  	_ =	strace $0x8FFFFFFF  }
0x9e: {  	s18 =	sld [smem:$0x3FDB];
	_ =	sdelay $0x1  }
0x9f: {  	s19 =	simm.s32 $_scs_section_size  }
0xa0: {  	s6 =	simm.s32 $_size__tile_overlayer_lowered;
	s7 =	simm.s32 $_tile_overlayer_lowered  }
0xa1: {  	s22 =	simm.s32 $0x1BFF;
	s21 =	sshll.u32 s7, $0x1;
	s4 =	sadd.s32 s19, s18  }
0xa2: {  	s8 =	simm.s32 $0x0;
	s20 =	sshll.u32 s6, $0x1;
	s6 =	sadd.s32 s21, s4  }
0xa3: {  	[timem:s8], [sflag:s22] =	dma.local [hbm:s6], s20  }
0xa4: {  	_ =	swait.ge [sflag:s22], s20  }
0xa5: {  	s5 =	ssub.s32 $0x0, s20;
	[sflag:s22] =	ssyncset.done $0x0  }
0xa6: {  	[sflag:s22] =	ssyncadd.s32 s5;
	_ =	sdelay $0x1  }
0xa7: {  	s23 =	simm.s32 $0x1B8B  }
0xa8: {  	_ =	swait.ge [sflag:s23], $0x1  }
0xa9: {  	[sflag:s23] =	ssyncset.done $0x0  }
0xaa: {  	s25 =	simm.s32 $0x1B8E;
	s24 =	sld [smem:$0x3FFE];
	[sflag:s23] =	ssyncadd.s32 $0xFFFFFFFF  }
0xab: {  	s26 =	simm.s32 $execute0_lowered;
	[smem:$0x3FD2] =	sst s25  }
0xac: {  	s6 =	sshll.u32 s26, $0x1;
	_ =	strace $0x80000046;
	[dreg:$0x1] =	wrdreg $0xFFFFFFFF  }
0xad: {  	s28 =	simm.s32 $_size_execute0_lowered;
	s4 =	sadd.s32 s4, s6;
	[dreg:$0x0] =	wrdreg $0x0  }
0xae: {  	s6 =	sshll.u32 s28, $0x1;
	[dreg:$0x2] =	wrdreg s4  }
0xaf: {  	[dreg:$0x3] =	wrdreg s6  }
0xb0: {  	[dreg:$0x4] =	wrdreg $0xC0  }
0xb1: {  	_ =	task [dreg:s8], $0x5FFFF  }
0xb2: {  	[dreg:$0x1] =	wrdreg $0xFFFFFFFF  }
0xb3: {  	[dreg:$0x0] =	wrdreg $0x60  }
0xb4: {  	[dreg:$0x2] =	wrdreg s15  }
0xb5: {  	[dreg:$0x3] =	wrdreg s16  }
0xb6: {  	[dreg:$0x4] =	wrdreg s24  }
0xb7: {  	[dreg:$0x5] =	wrdreg $0xE4000  }
0xb8: {  	[dreg:$0x6] =	wrdreg $0xB  }
0xb9: {  	_ =	task.clear_ibuf [dreg:s8], $0x7FFFF;
	_ =	strace $0x90000046  }
0xba: {  	s29 =	simm.s32 $0xB;
	_ =	strace $0x80000048  }
0xbb: {  	_ =	swait.ge [sflag:s29], $0x1  }
0xbc: {  	[sflag:s29] =	ssyncadd.s32 $0xFFFFFFFF  }
0xbd: {  	_ =	strace $0x90000048  }
0xbe: {  	_ =	sfence  }
0xbf: {  	s30 =	sld [smem:$0x0];
	_ =	sdelay $0x2  }
0xc0: {  	s31 =	sshll.u32 s1, $0xD;
	s1 =	sshrl.u32 s1, $0x2  }
0xc1: {  	s3 =	sand.u32 $0x4000, s31;
	s1 =	sadd.s32 s1, s30  }
0xc2: {  	s0 =	sor.u32 s3, s0;
	s1 =	sshll.u32 s1, $0x11  }
0xc3: {  	s0 =	sor.u32 s1, s0  }
0xc4: {  	s0 =	sadd.s32 $0x8F2B, s0  }
0xc5: {  	[sflag:s0] =	ssyncadd.remote.s32 $0x1  }
0xc6: {  	_ =	sfence.sel $0xFFFF  }
0xc7: {  	[dreg:$0x0] =	wrdreg $0xFFFFFFFF;
	(pc) =	sbr.abs _section_cstart, $3  }
0xc8: {  	[dreg:$0x1] =	wrdreg $0xFFFFFFFF  }
0xc9: {  	_ =	task.clear_ibuf [dreg:s8], $0x2FFFF;
	_ =	strace $0x9FFFFFFF  }
0xca: {  	(tm) =	ssettm $0x7FFFFFFF  }
0xcb: {  	_ =	shalt  }
tec
execute0_lowered:
.L_overlay_start_1:
0x0: {  	(tag) =	ssettag $0x1  }
0x1: {  	s1 =	rddreg [dreg:$0x0]  }
0x2: {  	s6 =	rddreg [dreg:$0x1]  }
0x3: {  	s5 =	rddreg [dreg:$0x2]  }
0x4: {  	s2 =	rddreg [dreg:$0x3]  }
0x5: {  	s0 =	rddreg [dreg:$0x4];
	s3 =	simm.s32 $0x0;
	s4 =	srdreg.scid  }
0x6: {  	s18 =	simm.s32 $0xD000;
	s19 =	simm.s32 $0x3;
	s20 =	simm.s32 $0x4000  }
0x7: {  	s21 =	simm.s32 $0x50;
	s22 =	simm.s32 $0x8000;
	s23 =	simm.s32 $0x1  }
0x8: {  	s25 =	simm.s32 $0x2;
	[smem:$0x7FF] =	sst s3;
	s7 =	sand.u32 $0x1, s4  }
0x9: {  	s26 =	simm.s32 $0x7E00;
	s4 =	stileid.u32;
	s8 =	smul.u32 $0xA0000, s7  }
0xa: {  	s9 =	sshll.u32 s4, $0xC;
	s10 =	sshll.u32 s7, $0xB;
	s11 =	smul.u32 $0xA000, s4  }
0xb: {  	_ =	strace $0x80000047;
	s7 =	ssub.s32 $0x2, s7;
	s12 =	smul.u32 $0x28000, s4  }
0xc: {  	s24 =	sor.u32 $0x1400, s4;
	p0 =	sne.s32 s4, $0x0;
	s9 =	sor.u32 s10, s9  }
0xd: {  	s30 =	sshrl.u32 s7, $0x1;
	v0 =	vmov s24;
	s24 =	simm.s32 $0xA800;
	s10 =	sadd.s32 s9, s5  }
0xe: {  	s8 =	sadd.s32 s11, s8;
	s11 =	ssub.s32 s7, s30;
	s6 =	sadd.s32 s6, s9  }
0xf: {  	s31 =	sshrl.u32 s12, $0x2;
	s8 =	sshrl.u32 s8, $0x3;
	s7 =	sadd.s32 $0xC00, s10  }
0x10: {  	s9 =	sadd.s32 s31, s2;
	s10 =	smax.u32 s11, $0x1;
	s8 =	sadd.s32 s8, s5  }
0x11: {  	s5 =	sadd.s32 $0xA0000, s2;
	s11 =	sadd.s32 $0x1400, s9;
	s12 =	sadd.s32 $0x2800, s9  }
0x12: {  	s13 =	sadd.s32 $0x3C00, s9;
	s14 =	sadd.s32 $0x5000, s9;
	s15 =	sadd.s32 $0x6400, s9  }
0x13: {  	v1 =	vimm.f32 $0.0e+00;
	s16 =	sadd.s32 $0x7800, s9;
	s17 =	sadd.s32 $0x8C00, s9;
	s8 =	sadd.s32 $0x10C00, s8  }
.LBB2_1:
0x14: {  	s28 =	simm.s32 $0x0;
	s29 =	simm.s32 $0x200  }
.LBB2_2:
0x15: {  	p1 =	sne.s32 s29, $0x4E00;
	[tilespmem:s28+$0xD070] =	vst v1  }
0x16: {  	[tilespmem:s28+$0xD000] =	vst v1  }
0x17: {  	[tilespmem:s28+$0xD010] =	vst v1  }
.Ltmp0:
0x18: {  	[tilespmem:s28+$0xD020] =	vst v1;
	(pc) =	sbr.rel @p1 .LBB2_2-.Ltmp0, $4  }
0x19: {  	[tilespmem:s28+$0xD030] =	vst v1  }
0x1a: {  	[tilespmem:s28+$0xD040] =	vst v1  }
0x1b: {  	[tilespmem:s28+$0xD050] =	vst v1  }
0x1c: {  	[tilespmem:s28+$0xD060] =	vst v1;
	s28 =	sshra.s32 s29, $0x2;
	s29 =	sadd.s32 $0x200, s29  }
0x1d: {  	[tilespmem:s28+$0xD070] =	vst v1  }
0x1e: {  	[tilespmem:s28+$0xD000] =	vst v1  }
0x1f: {  	[tilespmem:s28+$0xD010] =	vst v1  }
0x20: {  	[tilespmem:s28+$0xD020] =	vst v1  }
0x21: {  	[tilespmem:s28+$0xD030] =	vst v1  }
0x22: {  	[tilespmem:s28+$0xD040] =	vst v1  }
0x23: {  	[tilespmem:s28+$0xD050] =	vst v1  }
0x24: {  	[tilespmem:s28+$0xD060] =	vst v1  }
0x25: {  	[spmem:s9] =	stream.linear.scatter [tilespmem:s18], [sflag:$0x3], $0x1400, $0x38;
	[tilespmem:$0x18480] =	vst v63  }
0x26: {  	_ =	swait.ge [sflag:s19], $0x1400  }
0x27: {  	[sflag:s19] =	ssyncset.done $0x0  }
0x28: {  	[sflag:s19] =	ssyncadd.s32 $0xFFFFEC00  }
0x29: {  	[spmem:s11] =	stream.linear.scatter [tilespmem:s18], [sflag:$0x3], $0x1400, $0x38;
	[tilespmem:$0x18480] =	vst v63  }
0x2a: {  	_ =	swait.ge [sflag:s19], $0x1400  }
0x2b: {  	[sflag:s19] =	ssyncset.done $0x0  }
0x2c: {  	[sflag:s19] =	ssyncadd.s32 $0xFFFFEC00  }
0x2d: {  	[spmem:s12] =	stream.linear.scatter [tilespmem:s18], [sflag:$0x3], $0x1400, $0x38;
	[tilespmem:$0x18480] =	vst v63  }
0x2e: {  	_ =	swait.ge [sflag:s19], $0x1400  }
0x2f: {  	[sflag:s19] =	ssyncset.done $0x0  }
0x30: {  	[sflag:s19] =	ssyncadd.s32 $0xFFFFEC00  }
0x31: {  	[spmem:s13] =	stream.linear.scatter [tilespmem:s18], [sflag:$0x3], $0x1400, $0x38;
	[tilespmem:$0x18480] =	vst v63  }
0x32: {  	_ =	swait.ge [sflag:s19], $0x1400  }
0x33: {  	[sflag:s19] =	ssyncset.done $0x0  }
0x34: {  	[sflag:s19] =	ssyncadd.s32 $0xFFFFEC00  }
0x35: {  	[spmem:s14] =	stream.linear.scatter [tilespmem:s18], [sflag:$0x3], $0x1400, $0x38;
	[tilespmem:$0x18480] =	vst v63  }
0x36: {  	_ =	swait.ge [sflag:s19], $0x1400  }
0x37: {  	[sflag:s19] =	ssyncset.done $0x0  }
0x38: {  	[sflag:s19] =	ssyncadd.s32 $0xFFFFEC00  }
0x39: {  	[spmem:s15] =	stream.linear.scatter [tilespmem:s18], [sflag:$0x3], $0x1400, $0x38;
	[tilespmem:$0x18480] =	vst v63  }
0x3a: {  	_ =	swait.ge [sflag:s19], $0x1400  }
0x3b: {  	[sflag:s19] =	ssyncset.done $0x0  }
0x3c: {  	[sflag:s19] =	ssyncadd.s32 $0xFFFFEC00  }
0x3d: {  	[spmem:s16] =	stream.linear.scatter [tilespmem:s18], [sflag:$0x3], $0x1400, $0x38;
	[tilespmem:$0x18480] =	vst v63  }
0x3e: {  	_ =	swait.ge [sflag:s19], $0x1400  }
0x3f: {  	[sflag:s19] =	ssyncset.done $0x0  }
0x40: {  	[sflag:s19] =	ssyncadd.s32 $0xFFFFEC00  }
0x41: {  	[spmem:s17] =	stream.linear.scatter [tilespmem:s18], [sflag:$0x3], $0x1400, $0x38;
	[tilespmem:$0x18480] =	vst v63  }
0x42: {  	_ =	swait.ge [sflag:s19], $0x1400  }
0x43: {  	[sflag:s19] =	ssyncset.done $0x0  }
0x44: {  	s28 =	simm.s32 @!p0 $0xD000;
	[sflag:s19] =	ssyncadd.s32 $0xFFFFEC00  }
0x45: {  	[spmem:s5] =	stream.linear.scatter @!p0 [tilespmem:s28], [sflag:$0x3], $0x800, $0x38;
	[tilespmem:$0x18480] =	vst v63  }
0x46: {  	s28 =	simm.s32 @!p0 $0x3  }
0x47: {  	_ =	swait.ge @!p0 [sflag:s28], $0x800  }
0x48: {  	[sflag:s28] =	ssyncset.done @!p0 $0x0  }
0x49: {  	[sflag:s28] =	ssyncadd.s32 @!p0 $0xFFFFF800;
	s28 =	simm.s32 $0x0  }
0x4a: {  	[tilespmem:s28], [sflag:$0x3] =	stream.linear.gather [hbm4b:s6+s28], $0x3E80, $0x38;
	[tilespmem:$0x18480] =	vst v63  }
0x4b: {  	_ =	swait.ge [sflag:s19], $0x3E80  }
0x4c: {  	[sflag:s19] =	ssyncset.done $0x0  }
0x4d: {  	[sflag:s19] =	ssyncadd.s32 $0xFFFFC180  }
0x4e: {  	[tilespmem:s20], [sflag:$0x3] =	stream.linear.gather [hbm4b:s7+s28], $0x3E80, $0x38;
	[tilespmem:$0x18480] =	vst v63  }
0x4f: {  	_ =	swait.ge [sflag:s19], $0x3E80  }
0x50: {  	[sflag:s19] =	ssyncset.done $0x0  }
0x51: {  	s28 =	simm.s32 $0x0;
	[sflag:s19] =	ssyncadd.s32 $0xFFFFC180  }
0x52: {  	v3 =	vld [tilespmem:s28+$0x4000]  }
0x53: {  	v5 =	vld [tilespmem:s28+$0x4010]  }
0x54: {  	v4 =	vld [tilespmem:s28+$0x4020]  }
0x55: {  	s29 =	simm.s32 $0x200;
	v2 =	vld [tilespmem:s28+$0x4030]  }
.LBB2_4:
0x56: {  	p1 =	sne.s32 s29, $0xF800;
	v6 =	vld [tilespmem:s28+$0x4040]  }
0x57: {  	v3 =	vadd.s32 $0xFFFFEC00, v3  }
0x58: {  	vm0 =	vlt.u32 v3, $0x1400;
	v5 =	vadd.s32 $0xFFFFEC00, v5  }
0x59: {  	v3 =	vsel vm0, v3, v0;
	vm0 =	vlt.u32 v5, $0x1400;
	v4 =	vadd.s32 $0xFFFFEC00, v4  }
.Ltmp1:
0x5a: {  	s30 =	sshra.s32 s29, $0x2;
	[tilespmem:s28+$0x4000] =	vst v3;
	v5 =	vsel vm0, v5, v0;
	vm0 =	vlt.u32 v4, $0x1400;
	v2 =	vadd.s32 $0xFFFFEC00, v2;
	(pc) =	sbr.rel @p1 .LBB2_4-.Ltmp1, $4  }
0x5b: {  	v3 =	vld [tilespmem:s30+$0x4000];
	[tilespmem:s28+$0x4010] =	vst v5;
	v4 =	vsel vm0, v4, v0;
	vm0 =	vlt.u32 v2, $0x1400;
	v6 =	vadd.s32 $0xFFFFEC00, v6  }
0x5c: {  	v5 =	vld [tilespmem:s30+$0x4010];
	[tilespmem:s28+$0x4020] =	vst v4;
	v2 =	vsel vm0, v2, v0;
	vm0 =	vlt.u32 v6, $0x1400  }
0x5d: {  	v4 =	vld [tilespmem:s30+$0x4020];
	[tilespmem:s28+$0x4030] =	vst v2;
	v6 =	vsel vm0, v6, v0  }
0x5e: {  	s29 =	sadd.s32 $0x200, s29;
	v2 =	vld [tilespmem:s30+$0x4030];
	[tilespmem:s28+$0x4040] =	vst v6;
	s28 =	smov.u32 s30  }
0x5f: {  	v6 =	vld [tilespmem:s28+$0x4040]  }
0x60: {  	v3 =	vadd.s32 $0xFFFFEC00, v3  }
0x61: {  	vm0 =	vlt.u32 v3, $0x1400;
	v5 =	vadd.s32 $0xFFFFEC00, v5  }
0x62: {  	v3 =	vsel vm0, v3, v0;
	vm12 =	vlt.u32 v5, $0x1400;
	v4 =	vadd.s32 $0xFFFFEC00, v4  }
0x63: {  	[tilespmem:s28+$0x4000] =	vst v3;
	v3 =	vsel vm12, v5, v0;
	vm13 =	vlt.u32 v4, $0x1400;
	v2 =	vadd.s32 $0xFFFFEC00, v2  }
0x64: {  	[tilespmem:s28+$0x4010] =	vst v3;
	v3 =	vsel vm13, v4, v0;
	vm14 =	vlt.u32 v2, $0x1400;
	v63 =	vadd.s32 $0xFFFFEC00, v6  }
0x65: {  	[tilespmem:s28+$0x4020] =	vst v3;
	v2 =	vsel vm14, v2, v0;
	vm15 =	vlt.u32 v63, $0x1400  }
0x66: {  	[tilespmem:s28+$0x4030] =	vst v2;
	v2 =	vsel vm15, v63, v0  }
0x67: {  	[tilespmem:s28+$0x4040] =	vst v2  }
0x68: {  	s28 =	simm.s32 $0x0;
	[bflag:$0x0] =	sbarrier.arrive $0xFFFF  }
0x69: {  	[tilespmem:s22], [sflag:$0x1] =	stream.indirect.gather [hbm4b:s1+s21], $0x80, s28, s21, $0xb8;
	[tilespmem:$0x18480] =	vst v63  }
0x6a: {  	_ =	swait.ge [sflag:s23], $0x2800  }
0x6b: {  	[sflag:s23] =	ssyncset.done $0x0  }
0x6c: {  	s28 =	simm.s32 $0x80;
	[sflag:s23] =	ssyncadd.s32 $0xFFFFD800  }
0x6d: {  	[tilespmem:s24], [sflag:$0x2] =	stream.indirect.gather [hbm4b:s1+s21], $0x80, s28, s21, $0xb8;
	[tilespmem:$0x18480] =	vst v63  }
0x6e: {  	s28 =	simm.s32 $0x4000  }
0x6f: {  	[spmem:s2] =	stream.indirect.scatter.add.f32 [tilespmem:s22], [sflag:$0x3], $0x80, s28, s21, $0xb8;
	[tilespmem:$0x18480] =	vst v63  }
0x70: {  	_ =	swait.ge [sflag:s19], $0x2800  }
0x71: {  	[sflag:s19] =	ssyncset.done $0x0  }
0x72: {  	[sflag:s19] =	ssyncadd.s32 $0xFFFFD800  }
0x73: {  	_ =	swait.ge [sflag:s25], $0x2800  }
0x74: {  	[sflag:s25] =	ssyncset.done $0x0  }
0x75: {  	s28 =	simm.s32 $0x100;
	[sflag:s25] =	ssyncadd.s32 $0xFFFFD800  }
0x76: {  	[tilespmem:s22], [sflag:$0x1] =	stream.indirect.gather [hbm4b:s1+s21], $0x80, s28, s21, $0xb8;
	[tilespmem:$0x18480] =	vst v63  }
0x77: {  	s28 =	simm.s32 $0x4080  }
0x78: {  	[spmem:s2] =	stream.indirect.scatter.add.f32 [tilespmem:s24], [sflag:$0x3], $0x80, s28, s21, $0xb8;
	[tilespmem:$0x18480] =	vst v63  }
0x79: {  	_ =	swait.ge [sflag:s19], $0x2800  }
0x7a: {  	s28 =	simm.s32 $0x400;
	[sflag:s19] =	ssyncset.done $0x0  }
.LBB2_6:
0x7b: {  	p1 =	sne.s32 s28, $0xF400  }
0x7c: {  	[sflag:s19] =	ssyncadd.s32 $0xFFFFD800;
	s29 =	smov.u32 s28;
	s28 =	sadd.s32 $0x400, s28  }
0x7d: {  	_ = 	snop  }
0x7e: {  	_ =	swait.ge [sflag:s23], $0x2800  }
0x7f: {  	s29 =	sshra.s32 s29, $0x2;
	[sflag:s23] =	ssyncset.done $0x0  }
0x80: {  	s30 =	sadd.s32 $0x80, s29;
	[sflag:s23] =	ssyncadd.s32 $0xFFFFD800  }
0x81: {  	[tilespmem:s24], [sflag:$0x2] =	stream.indirect.gather [hbm4b:s1+s21], $0x80, s30, s21, $0xb8;
	[tilespmem:$0x18480] =	vst v63  }
0x82: {  	s30 =	sadd.s32 $0x4000, s29  }
0x83: {  	[spmem:s2] =	stream.indirect.scatter.add.f32 [tilespmem:s22], [sflag:$0x3], $0x80, s30, s21, $0xb8;
	[tilespmem:$0x18480] =	vst v63  }
0x84: {  	_ =	swait.ge [sflag:s19], $0x2800  }
0x85: {  	[sflag:s19] =	ssyncset.done $0x0  }
0x86: {  	[sflag:s19] =	ssyncadd.s32 $0xFFFFD800  }
0x87: {  	_ =	swait.ge [sflag:s25], $0x2800  }
0x88: {  	[sflag:s25] =	ssyncset.done $0x0  }
0x89: {  	s30 =	sadd.s32 $0x100, s29;
	[sflag:s25] =	ssyncadd.s32 $0xFFFFD800  }
0x8a: {  	[tilespmem:s22], [sflag:$0x1] =	stream.indirect.gather [hbm4b:s1+s21], $0x80, s30, s21, $0xb8;
	[tilespmem:$0x18480] =	vst v63  }
.Ltmp2:
0x8b: {  	_ = 	snop;
	(pc) =	sbr.rel @p1 .LBB2_6-.Ltmp2, $4  }
0x8c: {  	s29 =	sadd.s32 $0x4080, s29  }
0x8d: {  	[spmem:s2] =	stream.indirect.scatter.add.f32 [tilespmem:s24], [sflag:$0x3], $0x80, s29, s21, $0xb8;
	[tilespmem:$0x18480] =	vst v63  }
0x8e: {  	_ =	swait.ge [sflag:s19], $0x2800  }
0x8f: {  	[sflag:s19] =	ssyncset.done $0x0  }
0x90: {  	[sflag:s19] =	ssyncadd.s32 $0xFFFFD800  }
0x91: {  	_ =	swait.ge [sflag:s23], $0x2800  }
0x92: {  	[sflag:s23] =	ssyncset.done $0x0  }
0x93: {  	[sflag:s23] =	ssyncadd.s32 $0xFFFFD800  }
0x94: {  	[spmem:s2] =	stream.indirect.scatter.add.f32 [tilespmem:s22], [sflag:$0x3], $0x80, s26, s21, $0xb8;
	[tilespmem:$0x18480] =	vst v63  }
0x95: {  	_ =	swait.ge [sflag:s19], $0x2800  }
0x96: {  	s28 =	sshll.u32 s4, $0x6;
	s3 =	sadd.s32 $0x1, s3;
	[sflag:s19] =	ssyncset.done $0x0  }
0x97: {  	s29 =	sshrl.u32 s9, $0x3;
	p1 =	sne.s32 s3, s10;
	[sflag:s19] =	ssyncadd.s32 $0xFFFFD800  }
.Ltmp3:
0x98: {  	s28 =	sor.u32 $0x1C03, s28;
	[bflag:$0x0] =	sbarrier.arrive $0xFFFF;
	(pc) =	sbr.rel @p1 .LBB2_1-.Ltmp3, $4  }
0x99: {  	[hbm:s8], [sflag:s28] =	dma.local [spmem:s29], $0x1400  }
0x9a: {  	_ =	swait.ge [sflag:s19], $0x1400  }
0x9b: {  	[sflag:s19] =	ssyncset.done $0x0  }
0x9c: {  	[sflag:s19] =	ssyncadd.s32 $0xFFFFEC00  }
0x9d: {  	_ =	sfence.sel $0x180000  }
0x9e: {  	[bflag:$0x0] =	sbarrier.arrive $0xFFFF  }
0x9f: {  	_ =	strace $0x90000047  }
0xa0: {  	s0 =	sadd.s32 @!p0 $0x100000, s0;
	[bflag:$0x2] =	sbarrier.arrive $0xFFFF  }
0xa1: {  	[sflag:s0] =	ssyncadd.tile.s32 @!p0 $0x1;
	_ =	shalt  }
.Lfunc_end2:
_tile_overlayer_lowered:
.L_overlay_start_2:
0xa2: {  	(tag) =	ssettag $0x2  }
0xa3: {  	s0 =	rddreg [dreg:$0x0];
	s2 =	stileid.u32  }
0xa4: {  	s1 =	rddreg [dreg:$0x1];
	p0 =	sne.s32 s2, $0x0  }
0xa5: {  	s3 =	rddreg [dreg:$0x2];
	[bflag:$0x3] =	sbarrier.arrive $0xFFFF;
	s2 =	simm.s32 @!p0 $0x1C03  }
0xa6: {  	[timem:s3], [sflag:s2] =	dma.local @!p0 [hbm:s0], s1  }
0xa7: {  	s0 =	simm.s32 @!p0 $0x3  }
0xa8: {  	_ =	swait.ge @!p0 [sflag:s0], s1  }
0xa9: {  	s1 =	ssub.s32 @!p0 $0x0, s1;
	[sflag:s0] =	ssyncset.done @!p0 $0x0  }
0xaa: {  	[sflag:s0] =	ssyncadd.s32 @!p0 s1  }
0xab: {  	[bflag:$0x3] =	sbarrier.arrive $0xFFFF  }
0xac: {  	_ =	shalt  }

// kernel: _sc_segment.5.cloned.1.call-start
scs
__scs_entry_jumppad:
0x0: {  	(pc) =	sbr.rel $0x88, $3  }
0x1: {  	(tag) =	ssettag $0x0;
	lr =	simm.s32 $0x1  }
0x2: {  	[smem:$0x3F9E] =	sst lr;
	_ =	strace $0xD0000000  }
0x3: {  	_ = 	snop  }
0x4: {  	_ = 	snop  }
0x5: {  	_ = 	snop  }
0x6: {  	_ = 	snop  }
0x7: {  	_ = 	snop  }
__scs_overlays_trampoline_lowered:
0x8: {  	[smem:$0x3FAD] =	sst s0  }
0x9: {  	[smem:$0x3FAE] =	sst s1  }
0xa: {  	[smem:$0x3FAF] =	sst s2  }
0xb: {  	[smem:$0x3FB0] =	sst s3  }
0xc: {  	[smem:$0x3FB1] =	sst s4  }
0xd: {  	[smem:$0x3FB2] =	sst s5  }
0xe: {  	[smem:$0x3FB3] =	sst s6  }
0xf: {  	[smem:$0x3FB4] =	sst s7  }
0x10: {  	[smem:$0x3FB5] =	sst s8  }
0x11: {  	[smem:$0x3FB6] =	sst s9;
	s0 =	simm.s32 @!p0 $0x0  }
0x12: {  	s1 =	sld [smem:$0x3F9C];
	s0 =	simm.s32 @p0 $0x1  }
0x13: {  	[smem:$0x3FB7] =	sst s0;
	s0 =	simm.s32 @!p1 $0x0  }
0x14: {  	s2 =	sld [smem:$0x3F9B];
	s0 =	simm.s32 @p1 $0x1  }
0x15: {  	[smem:$0x3FB8] =	sst s0;
	s0 =	simm.s32 @!p2 $0x0  }
0x16: {  	s3 =	sld [smem:$0x3FDB];
	s0 =	simm.s32 @p2 $0x1  }
0x17: {  	s4 =	simm.s32 $0x1BF5;
	[smem:$0x3FBA] =	sst s0  }
0x18: {  	s0 =	sld [smem:$0x3F9D];
	_ =	swait.ge [sflag:s4], $0x0  }
0x19: {  	s7 =	sld [smem:$0x3F9E]  }
0x1a: {  	s8 =	sadd.s32 $0xFFFFE003, lr  }
0x1b: {  	s9 =	sadd.s32 $0xFFFFFEF7, lr;
	s5 =	simm.s32 $0xFFFFFFFF;
	p2 =	slt.u32 s8, $0xFFFFF086  }
0x1c: {  	p1 =	slt.u32 s9, $0xF7A;
	s5 =	simm.s32 @!p2 $0x0  }
0x1d: {  	s5 =	simm.s32 @p1 $0x1;
	p0 =	seq.s32 s7, s2  }
0x1e: {  	s7 =	smul.u32 @!p0 $0xF7A, s2;
	p2 =	seq.s32 @!p0 s5, $0x0  }
0x1f: {  	s9 =	smul.u32 $0xF7A, s1;
	s8 =	simm.s32 @!p0 $0x1BF5;
	p2 =	por !p2, p0  }
0x20: {  	[sflag:s8] =	ssyncset.s32 @!p0 $0xFFFFF086;
	s6 =	sadd.s32 @!p0 s3, s7;
	s7 =	simm.s32 @!p0 $0x108  }
0x21: {  	s3 =	sadd.s32 s3, s9;
	s6 =	sadd.s32 @!p0 $0x88, s6;
	s7 =	simm.s32 @p2 $0x1082  }
0x22: {  	[simem:s7], [sflag:s8] =	dma.local @!p0 [hbm:s6], $0xF7A  }
0x23: {  	s9 =	sor.u32 $0xD0000000, s2;
	s6 =	simm.s32 $0x108;
	_ =	swait.ge @!p0 [sflag:s8], $0x0  }
0x24: {  	s3 =	sadd.s32 $0x88, s3;
	s6 =	simm.s32 @!p1 $0x1082;
	[sflag:s4] =	ssyncset.s32 $0xFFFFF086  }
0x25: {  	[simem:s6], [sflag:s4] =	dma.local [hbm:s3], $0xF7A  }
0x26: {  	[smem:$0x3F9E] =	sst s1;
	(tag) =	ssettag s2;
	_ =	strace s9  }
0x27: {  	s1 =	sld [smem:$0x3FAE]  }
0x28: {  	s2 =	sld [smem:$0x3FAF]  }
0x29: {  	s4 =	sld [smem:$0x3FB1]  }
0x2a: {  	p0 =	seq.s32 s5, $0x0;
	s5 =	sld [smem:$0x3FB2]  }
0x2b: {  	s6 =	sld [smem:$0x3FB3]  }
0x2c: {  	s7 =	sld [smem:$0x3FB4]  }
0x2d: {  	s3 =	simm.s32 $0x108;
	s8 =	sld [smem:$0x3FB5]  }
0x2e: {  	s3 =	simm.s32 @!p0 $0x1082;
	s9 =	sld [smem:$0x3FB6]  }
0x2f: {  	lr =	sadd.s32 s0, s3;
	s0 =	sld [smem:$0x3FAD]  }
0x30: {  	s3 =	sld [smem:$0x3FB0]  }
0x31: {  	[smem:$0x3FB9] =	sst s10  }
0x32: {  	s10 =	sld [smem:$0x3FB7];
	_ =	sdelay $0x3  }
0x33: {  	p0 =	seq.s32 s10, $0x1;
	s10 =	sld [smem:$0x3FB9];
	_ =	sdelay $0x3  }
0x34: {  	[smem:$0x3FB9] =	sst s10  }
0x35: {  	s10 =	sld [smem:$0x3FB8];
	_ =	sdelay $0x3  }
0x36: {  	p1 =	seq.s32 s10, $0x1;
	s10 =	sld [smem:$0x3FB9];
	_ =	sdelay $0x3  }
0x37: {  	[smem:$0x3FB9] =	sst s10  }
0x38: {  	s10 =	sld [smem:$0x3FBA]  }
0x39: {  	_ = 	snop;
	(pc) =	sbr.ind lr, $3  }
0x3a: {  	_ = 	snop  }
0x3b: {  	_ = 	snop  }
0x3c: {  	p2 =	seq.s32 s10, $0x1;
	s10 =	sld [smem:$0x3FB9]  }
0x3d: {  	_ =	shalt  }
0x3e: {  	_ =	shalt  }
0x3f: {  	_ =	shalt  }
0x40: {  	_ =	shalt  }
0x41: {  	_ =	shalt  }
0x42: {  	_ =	shalt  }
0x43: {  	_ =	shalt  }
0x44: {  	_ =	shalt  }
0x45: {  	_ =	shalt  }
0x46: {  	_ =	shalt  }
0x47: {  	_ =	shalt  }
0x48: {  	_ =	shalt  }
0x49: {  	_ =	shalt  }
0x4a: {  	_ =	shalt  }
0x4b: {  	_ =	shalt  }
0x4c: {  	_ =	shalt  }
0x4d: {  	_ =	shalt  }
0x4e: {  	_ =	shalt  }
0x4f: {  	_ =	shalt  }
0x50: {  	_ =	shalt  }
0x51: {  	_ =	shalt  }
0x52: {  	_ =	shalt  }
0x53: {  	_ =	shalt  }
0x54: {  	_ =	shalt  }
0x55: {  	_ =	shalt  }
0x56: {  	_ =	shalt  }
0x57: {  	_ =	shalt  }
0x58: {  	_ =	shalt  }
0x59: {  	_ =	shalt  }
0x5a: {  	_ =	shalt  }
0x5b: {  	_ =	shalt  }
0x5c: {  	_ =	shalt  }
0x5d: {  	_ =	shalt  }
0x5e: {  	_ =	shalt  }
0x5f: {  	_ =	shalt  }
0x60: {  	_ =	shalt  }
0x61: {  	_ =	shalt  }
0x62: {  	_ =	shalt  }
0x63: {  	_ =	shalt  }
0x64: {  	_ =	shalt  }
0x65: {  	_ =	shalt  }
0x66: {  	_ =	shalt  }
0x67: {  	_ =	shalt  }
0x68: {  	_ =	shalt  }
0x69: {  	_ =	shalt  }
0x6a: {  	_ =	shalt  }
0x6b: {  	_ =	shalt  }
0x6c: {  	_ =	shalt  }
0x6d: {  	_ =	shalt  }
0x6e: {  	_ =	shalt  }
0x6f: {  	_ =	shalt  }
0x70: {  	_ =	shalt  }
0x71: {  	_ =	shalt  }
0x72: {  	_ =	shalt  }
0x73: {  	_ =	shalt  }
0x74: {  	_ =	shalt  }
0x75: {  	_ =	shalt  }
0x76: {  	_ =	shalt  }
0x77: {  	_ =	shalt  }
0x78: {  	_ =	shalt  }
0x79: {  	_ =	shalt  }
0x7a: {  	_ =	shalt  }
0x7b: {  	_ =	shalt  }
0x7c: {  	_ =	shalt  }
0x7d: {  	_ =	shalt  }
0x7e: {  	_ =	shalt  }
0x7f: {  	_ =	shalt  }
0x80: {  	_ =	shalt  }
0x81: {  	_ =	shalt  }
0x82: {  	_ =	shalt  }
0x83: {  	_ =	shalt  }
0x84: {  	_ =	shalt  }
0x85: {  	_ =	shalt  }
0x86: {  	_ =	shalt  }
0x87: {  	_ =	shalt  }
.Lfunc_end0:
.L_simem_size_0:
called_computation_lowered:
.L_overlay_start_0:
0x88: {  	s2 =	sld [smem:$0x3FD9]  }
0x89: {  	s3 =	sld [smem:$0x3FFE];
	_ =	sdelay $0x1  }
0x8a: {  	s1 =	srdreg.scid  }
0x8b: {  	s0 =	sand.u32 $0x1, s1  }
0x8c: {  	s15 =	sshll.u32 s0, $0xA;
	s2 =	sadd.s32 s3, s2  }
0x8d: {  	s2 =	sadd.s32 s2, s15  }
0x8e: {  	[smem:$0x3FC5] =	sst s2  }
0x8f: {  	_ = 	snop  }
0x90: {  	s2 =	sld [smem:$0x3FD0];
	_ =	sdelay $0x2  }
0x91: {  	s16 =	simm.s32 $0xC;
	s4 =	simm.s32 $0x10  }
0x92: {  	[smem:s4], [sflag:s16] =	dma.local [hbm:s2], $0x1  }
0x93: {  	_ =	swait.eq [sflag:s16], $0x1  }
0x94: {  	[sflag:s16] =	ssyncset.done $0x0  }
0x95: {  	[sflag:s16] =	ssyncadd.s32 $0xFFFFFFFF  }
0x96: {  	s17 =	sld [smem:$0x11];
	(tm) =	ssettm $0x1  }
0x97: {  	s18 =	sld [smem:$0x3FFB];
	_ =	sdelay $0x3  }
0x98: {  	_ =	strace s18  }
0x99: {  	s2 =	sld [smem:$0x3FFC];
	_ =	sdelay $0x3  }
0x9a: {  	_ =	strace s2  }
0x9b: {  	s2 =	sld [smem:$0x3FFD];
	_ =	sdelay $0x3  }
0x9c: {  	_ =	strace s2  }
0x9d: {  	_ =	strace $0x8FFFFFFF  }
0x9e: {  	s19 =	sld [smem:$0x3FDB];
	_ =	sdelay $0x1  }
0x9f: {  	s20 =	simm.s32 $_scs_section_size  }
0xa0: {  	s5 =	simm.s32 $_size__tile_overlayer_lowered;
	s6 =	simm.s32 $_tile_overlayer_lowered  }
0xa1: {  	s7 =	simm.s32 $0x1BFF;
	s21 =	sshll.u32 s6, $0x1;
	s4 =	sadd.s32 s20, s19  }
0xa2: {  	s22 =	simm.s32 $0x0;
	s5 =	sshll.u32 s5, $0x1;
	s6 =	sadd.s32 s21, s4  }
0xa3: {  	[timem:s22], [sflag:s7] =	dma.local [hbm:s6], s5  }
0xa4: {  	_ =	swait.ge [sflag:s7], s5  }
0xa5: {  	s5 =	ssub.s32 $0x0, s5;
	[sflag:s7] =	ssyncset.done $0x0  }
0xa6: {  	[sflag:s7] =	ssyncadd.s32 s5;
	_ =	sdelay $0x1  }
0xa7: {  	s23 =	simm.s32 $0x1B8B  }
0xa8: {  	_ =	swait.ge [sflag:s23], $0x1  }
0xa9: {  	[sflag:s23] =	ssyncset.done $0x0  }
0xaa: {  	[sflag:s23] =	ssyncadd.s32 $0xFFFFFFFF  }
0xab: {  	s5 =	sld [smem:$0x0]  }
0xac: {  	s6 =	sand.u32 $0xFFFFFFFE, s1  }
0xad: {  	p0 =	sne.s32 s1, s6  }
0xae: {  	s6 =	sshll.u32 @p0 s6, $0xE  }
0xaf: {  	s6 =	sadd.s32 @p0 $0x11B8D, s6;
	s7 =	sshll.u32 @p0 s5, $0x11  }
0xb0: {  	s6 =	sor.u32 @p0 s7, s6  }
0xb1: {  	[sflag:s6] =	ssyncadd.remote.s32 @p0 $0x1;
	_ =	sdelay $0x1  }
0xb2: {  	s6 =	simm.s32 @p0 $0x1B8D  }
0xb3: {  	_ =	swait.eq @p0 [sflag:s6], $0x1  }
0xb4: {  	[sflag:s6] =	ssyncadd.s32 @p0 $0xFFFFFFFF  }
0xb5: {  	s7 =	sshll.u32 @!p0 s1, $0xE  }
0xb6: {  	s7 =	sor.u32 @!p0 $0x4000, s7;
	s6 =	simm.s32 @!p0 $0x1B8D  }
0xb7: {  	s5 =	sshll.u32 @!p0 s5, $0x11;
	s7 =	sadd.s32 @!p0 $0x11B8D, s7;
	_ =	swait.eq @!p0 [sflag:s6], $0x1  }
0xb8: {  	s5 =	sor.u32 @!p0 s5, s7;
	[sflag:s6] =	ssyncadd.s32 @!p0 $0xFFFFFFFF  }
0xb9: {  	s25 =	simm.s32 $0x1B8E;
	s24 =	sld [smem:$0x3FFE];
	[sflag:s5] =	ssyncadd.remote.s32 @!p0 $0x1  }
0xba: {  	s26 =	simm.s32 $execute0_lowered;
	[smem:$0x3FD2] =	sst s25  }
0xbb: {  	s6 =	sshll.u32 s26, $0x1;
	_ =	strace $0x8000004C;
	[dreg:$0x1] =	wrdreg $0xFFFFFFFF  }
0xbc: {  	s28 =	simm.s32 $_size_execute0_lowered;
	s4 =	sadd.s32 s4, s6;
	[dreg:$0x0] =	wrdreg $0x0  }
0xbd: {  	s6 =	sshll.u32 s28, $0x1;
	[dreg:$0x2] =	wrdreg s4  }
0xbe: {  	[dreg:$0x3] =	wrdreg s6  }
0xbf: {  	[dreg:$0x4] =	wrdreg $0xC0  }
0xc0: {  	_ =	task [dreg:s22], $0x5FFFF  }
0xc1: {  	[dreg:$0x1] =	wrdreg $0xFFFFFFFF  }
0xc2: {  	[dreg:$0x0] =	wrdreg $0x60  }
0xc3: {  	[dreg:$0x2] =	wrdreg s24  }
0xc4: {  	[dreg:$0x3] =	wrdreg s17  }
0xc5: {  	[dreg:$0x4] =	wrdreg $0x9  }
0xc6: {  	_ =	task.clear_ibuf [dreg:s22], $0x5FFFF;
	_ =	strace $0x9000004C  }
0xc7: {  	s29 =	simm.s32 $0x9;
	_ =	strace $0x8000004E  }
0xc8: {  	_ =	swait.ge [sflag:s29], $0x1  }
0xc9: {  	[sflag:s29] =	ssyncadd.s32 $0xFFFFFFFF  }
0xca: {  	_ =	strace $0x9000004E  }
0xcb: {  	_ =	sfence  }
0xcc: {  	s30 =	sld [smem:$0x0];
	_ =	sdelay $0x2  }
0xcd: {  	s31 =	sshll.u32 s1, $0xD;
	s1 =	sshrl.u32 s1, $0x2  }
0xce: {  	s4 =	sand.u32 $0x4000, s31;
	s1 =	sadd.s32 s1, s30  }
0xcf: {  	s0 =	sor.u32 s4, s0;
	s1 =	sshll.u32 s1, $0x11  }
0xd0: {  	s0 =	sor.u32 s1, s0  }
0xd1: {  	s0 =	sadd.s32 $0x8F2B, s0  }
0xd2: {  	[sflag:s0] =	ssyncadd.remote.s32 $0x1  }
0xd3: {  	_ =	sfence.sel $0xFFFF  }
0xd4: {  	[dreg:$0x0] =	wrdreg $0xFFFFFFFF;
	(pc) =	sbr.abs _section_cstart, $3  }
0xd5: {  	[dreg:$0x1] =	wrdreg $0xFFFFFFFF  }
0xd6: {  	_ =	task.clear_ibuf [dreg:s22], $0x2FFFF;
	_ =	strace $0x9FFFFFFF  }
0xd7: {  	(tm) =	ssettm $0x7FFFFFFF  }
tec
execute0_lowered:
.L_overlay_start_1:
0x0: {  	(tag) =	ssettag $0x1  }
0x1: {  	s3 =	rddreg [dreg:$0x0]  }
0x2: {  	s4 =	rddreg [dreg:$0x1];
	s2 =	srdreg.scid  }
0x3: {  	s1 =	stileid.u32;
	s0 =	rddreg [dreg:$0x2];
	s9 =	simm.s32 $0x400  }
0x4: {  	s10 =	simm.s32 $0x0;
	s5 =	sand.u32 $0x1, s2;
	s6 =	sshll.u32 s1, $0x1  }
0x5: {  	s2 =	simm.s32 $0x0;
	s7 =	sshrl.u32 s1, $0x2;
	s6 =	sor.u32 s5, s6  }
0x6: {  	[smem:$0x7FF] =	sst s2;
	s7 =	smul.u32 $0x14000, s7;
	s5 =	ssub.s32 $0x2, s5  }
0x7: {  	s8 =	sshll.u32 s6, $0x7;
	_ =	strace $0x8000004D;
	s6 =	sshll.u32 s6, $0xB  }
0x8: {  	s31 =	sshrl.u32 s5, $0x1;
	s8 =	sand.u32 $0x380, s8;
	s3 =	sadd.s32 s6, s3  }
0x9: {  	s5 =	ssub.s32 s5, s31;
	s6 =	simm.s32 $0x1;
	s7 =	sor.u32 s7, s8  }
0xa: {  	s3 =	sadd.s32 $0xC00, s3;
	s5 =	smax.u32 s5, $0x1;
	s7 =	sshrl.u32 s7, $0x3  }
0xb: {  	v0 =	vimm.f32 $0.0e+00;
	v1 =	vimm.f32 $1.000000000e+00;
	s8 =	simm.s32 $0x80;
	s4 =	sadd.s32 s4, s7;
	s7 =	simm.s32 $0x4000  }
.LBB2_1:
0xc: {  	[tilespmem:s2], [sflag:$0x1] =	stream.linear.gather [hbm4b:s3+s2], $0x3E80, $0x38;
	[tilespmem:$0x6800] =	vst v63  }
0xd: {  	_ =	swait.ge [sflag:s6], $0x3E80  }
0xe: {  	[sflag:s6] =	ssyncset.done $0x0  }
0xf: {  	s11 =	simm.s32 $0x0;
	[sflag:s6] =	ssyncadd.s32 $0xFFFFC180  }
.LBB2_2:
0x10: {  	p0 =	sne.s32 s11, $0x9FC0  }
.Ltmp0:
0x11: {  	_ = 	snop;
	(pc) =	sbr.rel @p0 .LBB2_2-.Ltmp0, $3  }
0x12: {  	_ =	sdelay $0x1  }
0x13: {  	s12 =	sshra.s32 s11, $0x2  }
0x14: {  	s11 =	sadd.s32 $0x40, s11;
	[tilespmem:s12+$0x4000] =	vst v0  }
0x15: {  	s11 =	simm.s32 $0x0  }
.LBB2_4:
0x16: {  	s12 =	sshra.s32 s11, $0x2  }
0x17: {  	v2 =	vld [tilespmem:s12+$0x0];
	_ =	sdelay $0x7  }
0x18: {  	[tilespmem:v2+s7+$0x0] =	vst.idx.add.f32.msk $0xffff, v1  }
0x19: {  	v2 =	vld [tilespmem:s12+$0x10];
	_ =	sdelay $0x7  }
0x1a: {  	[tilespmem:v2+s7+$0x0] =	vst.idx.add.f32.msk $0xffff, v1  }
0x1b: {  	v2 =	vld [tilespmem:s12+$0x20];
	_ =	sdelay $0x7  }
0x1c: {  	[tilespmem:v2+s7+$0x0] =	vst.idx.add.f32.msk $0xffff, v1  }
0x1d: {  	v2 =	vld [tilespmem:s12+$0x30];
	_ =	sdelay $0x7  }
0x1e: {  	[tilespmem:v2+s7+$0x0] =	vst.idx.add.f32.msk $0xffff, v1  }
0x1f: {  	v2 =	vld [tilespmem:s12+$0x40];
	_ =	sdelay $0x2  }
0x20: {  	p0 =	sne.s32 s11, $0xF800  }
.Ltmp1:
0x21: {  	_ = 	snop;
	(pc) =	sbr.rel @p0 .LBB2_4-.Ltmp1, $2  }
0x22: {  	_ =	sdelay $0x2  }
0x23: {  	s11 =	sadd.s32 $0x200, s11;
	[tilespmem:v2+s7+$0x0] =	vst.idx.add.f32.msk $0xffff, v1  }
0x24: {  	s10 =	sadd.s32 $0x1, s10  }
0x25: {  	p0 =	sne.s32 s10, s5  }
.Ltmp2:
0x26: {  	_ = 	snop;
	(pc) =	sbr.rel @p0 .LBB2_1-.Ltmp2, $4  }
0x27: {  	[hbm4b:s4+s8] =	stream.strided.scatter [tilespmem:s7], [sflag:$0x1], $0x2800, s9, s8, $0x38;
	[tilespmem:$0x6800] =	vst v63  }
0x28: {  	_ =	swait.ge [sflag:s6], $0x2800  }
0x29: {  	[sflag:s6] =	ssyncset.done $0x0  }
0x2a: {  	[sflag:s6] =	ssyncadd.s32 $0xFFFFD800  }
0x2b: {  	_ =	sfence.sel $0x180000  }
0x2c: {  	[bflag:$0x0] =	sbarrier.arrive $0xFFFF  }
0x2d: {  	p0 =	sne.s32 s1, $0x0;
	_ =	strace $0x9000004D  }
0x2e: {  	s0 =	sadd.s32 @!p0 $0x100000, s0;
	[bflag:$0x2] =	sbarrier.arrive $0xFFFF  }
0x2f: {  	[sflag:s0] =	ssyncadd.tile.s32 @!p0 $0x1;
	_ =	shalt  }
.Lfunc_end2:
_tile_overlayer_lowered:
.L_overlay_start_2:
0x30: {  	(tag) =	ssettag $0x2  }
0x31: {  	s0 =	rddreg [dreg:$0x0];
	s2 =	stileid.u32  }
0x32: {  	s1 =	rddreg [dreg:$0x1];
	p0 =	sne.s32 s2, $0x0  }
0x33: {  	s3 =	rddreg [dreg:$0x2];
	[bflag:$0x3] =	sbarrier.arrive $0xFFFF;
	s2 =	simm.s32 @!p0 $0x1C01  }
0x34: {  	[timem:s3], [sflag:s2] =	dma.local @!p0 [hbm:s0], s1  }
0x35: {  	s0 =	simm.s32 @!p0 $0x1  }
0x36: {  	_ =	swait.ge @!p0 [sflag:s0], s1  }
0x37: {  	s1 =	ssub.s32 @!p0 $0x0, s1;
	[sflag:s0] =	ssyncset.done @!p0 $0x0  }
0x38: {  	[sflag:s0] =	ssyncadd.s32 @!p0 s1  }
0x39: {  	[bflag:$0x3] =	sbarrier.arrive $0xFFFF  }
0x3a: {  	_ =	shalt  }

// kernel: _sc_segment.8.cloned.1.call-start
scs
__scs_entry_jumppad:
0x0: {  	(pc) =	sbr.rel $0x88, $3  }
0x1: {  	(tag) =	ssettag $0x0;
	lr =	simm.s32 $0x1  }
0x2: {  	[smem:$0x3F9E] =	sst lr;
	_ =	strace $0xD0000000  }
0x3: {  	_ = 	snop  }
0x4: {  	_ = 	snop  }
0x5: {  	_ = 	snop  }
0x6: {  	_ = 	snop  }
0x7: {  	_ = 	snop  }
__scs_overlays_trampoline_lowered:
0x8: {  	[smem:$0x3FAD] =	sst s0  }
0x9: {  	[smem:$0x3FAE] =	sst s1  }
0xa: {  	[smem:$0x3FAF] =	sst s2  }
0xb: {  	[smem:$0x3FB0] =	sst s3  }
0xc: {  	[smem:$0x3FB1] =	sst s4  }
0xd: {  	[smem:$0x3FB2] =	sst s5  }
0xe: {  	[smem:$0x3FB3] =	sst s6  }
0xf: {  	[smem:$0x3FB4] =	sst s7  }
0x10: {  	[smem:$0x3FB5] =	sst s8  }
0x11: {  	[smem:$0x3FB6] =	sst s9;
	s0 =	simm.s32 @!p0 $0x0  }
0x12: {  	s1 =	sld [smem:$0x3F9C];
	s0 =	simm.s32 @p0 $0x1  }
0x13: {  	[smem:$0x3FB7] =	sst s0;
	s0 =	simm.s32 @!p1 $0x0  }
0x14: {  	s2 =	sld [smem:$0x3F9B];
	s0 =	simm.s32 @p1 $0x1  }
0x15: {  	[smem:$0x3FB8] =	sst s0;
	s0 =	simm.s32 @!p2 $0x0  }
0x16: {  	s3 =	sld [smem:$0x3FDB];
	s0 =	simm.s32 @p2 $0x1  }
0x17: {  	s4 =	simm.s32 $0x1BF5;
	[smem:$0x3FBA] =	sst s0  }
0x18: {  	s0 =	sld [smem:$0x3F9D];
	_ =	swait.ge [sflag:s4], $0x0  }
0x19: {  	s7 =	sld [smem:$0x3F9E]  }
0x1a: {  	s8 =	sadd.s32 $0xFFFFE003, lr  }
0x1b: {  	s9 =	sadd.s32 $0xFFFFFEF7, lr;
	s5 =	simm.s32 $0xFFFFFFFF;
	p2 =	slt.u32 s8, $0xFFFFF086  }
0x1c: {  	p1 =	slt.u32 s9, $0xF7A;
	s5 =	simm.s32 @!p2 $0x0  }
0x1d: {  	s5 =	simm.s32 @p1 $0x1;
	p0 =	seq.s32 s7, s2  }
0x1e: {  	s7 =	smul.u32 @!p0 $0xF7A, s2;
	p2 =	seq.s32 @!p0 s5, $0x0  }
0x1f: {  	s9 =	smul.u32 $0xF7A, s1;
	s8 =	simm.s32 @!p0 $0x1BF5;
	p2 =	por !p2, p0  }
0x20: {  	[sflag:s8] =	ssyncset.s32 @!p0 $0xFFFFF086;
	s6 =	sadd.s32 @!p0 s3, s7;
	s7 =	simm.s32 @!p0 $0x108  }
0x21: {  	s3 =	sadd.s32 s3, s9;
	s6 =	sadd.s32 @!p0 $0x88, s6;
	s7 =	simm.s32 @p2 $0x1082  }
0x22: {  	[simem:s7], [sflag:s8] =	dma.local @!p0 [hbm:s6], $0xF7A  }
0x23: {  	s9 =	sor.u32 $0xD0000000, s2;
	s6 =	simm.s32 $0x108;
	_ =	swait.ge @!p0 [sflag:s8], $0x0  }
0x24: {  	s3 =	sadd.s32 $0x88, s3;
	s6 =	simm.s32 @!p1 $0x1082;
	[sflag:s4] =	ssyncset.s32 $0xFFFFF086  }
0x25: {  	[simem:s6], [sflag:s4] =	dma.local [hbm:s3], $0xF7A  }
0x26: {  	[smem:$0x3F9E] =	sst s1;
	(tag) =	ssettag s2;
	_ =	strace s9  }
0x27: {  	s1 =	sld [smem:$0x3FAE]  }
0x28: {  	s2 =	sld [smem:$0x3FAF]  }
0x29: {  	s4 =	sld [smem:$0x3FB1]  }
0x2a: {  	p0 =	seq.s32 s5, $0x0;
	s5 =	sld [smem:$0x3FB2]  }
0x2b: {  	s6 =	sld [smem:$0x3FB3]  }
0x2c: {  	s7 =	sld [smem:$0x3FB4]  }
0x2d: {  	s3 =	simm.s32 $0x108;
	s8 =	sld [smem:$0x3FB5]  }
0x2e: {  	s3 =	simm.s32 @!p0 $0x1082;
	s9 =	sld [smem:$0x3FB6]  }
0x2f: {  	lr =	sadd.s32 s0, s3;
	s0 =	sld [smem:$0x3FAD]  }
0x30: {  	s3 =	sld [smem:$0x3FB0]  }
0x31: {  	[smem:$0x3FB9] =	sst s10  }
0x32: {  	s10 =	sld [smem:$0x3FB7];
	_ =	sdelay $0x3  }
0x33: {  	p0 =	seq.s32 s10, $0x1;
	s10 =	sld [smem:$0x3FB9];
	_ =	sdelay $0x3  }
0x34: {  	[smem:$0x3FB9] =	sst s10  }
0x35: {  	s10 =	sld [smem:$0x3FB8];
	_ =	sdelay $0x3  }
0x36: {  	p1 =	seq.s32 s10, $0x1;
	s10 =	sld [smem:$0x3FB9];
	_ =	sdelay $0x3  }
0x37: {  	[smem:$0x3FB9] =	sst s10  }
0x38: {  	s10 =	sld [smem:$0x3FBA]  }
0x39: {  	_ = 	snop;
	(pc) =	sbr.ind lr, $3  }
0x3a: {  	_ = 	snop  }
0x3b: {  	_ = 	snop  }
0x3c: {  	p2 =	seq.s32 s10, $0x1;
	s10 =	sld [smem:$0x3FB9]  }
0x3d: {  	_ =	shalt  }
0x3e: {  	_ =	shalt  }
0x3f: {  	_ =	shalt  }
0x40: {  	_ =	shalt  }
0x41: {  	_ =	shalt  }
0x42: {  	_ =	shalt  }
0x43: {  	_ =	shalt  }
0x44: {  	_ =	shalt  }
0x45: {  	_ =	shalt  }
0x46: {  	_ =	shalt  }
0x47: {  	_ =	shalt  }
0x48: {  	_ =	shalt  }
0x49: {  	_ =	shalt  }
0x4a: {  	_ =	shalt  }
0x4b: {  	_ =	shalt  }
0x4c: {  	_ =	shalt  }
0x4d: {  	_ =	shalt  }
0x4e: {  	_ =	shalt  }
0x4f: {  	_ =	shalt  }
0x50: {  	_ =	shalt  }
0x51: {  	_ =	shalt  }
0x52: {  	_ =	shalt  }
0x53: {  	_ =	shalt  }
0x54: {  	_ =	shalt  }
0x55: {  	_ =	shalt  }
0x56: {  	_ =	shalt  }
0x57: {  	_ =	shalt  }
0x58: {  	_ =	shalt  }
0x59: {  	_ =	shalt  }
0x5a: {  	_ =	shalt  }
0x5b: {  	_ =	shalt  }
0x5c: {  	_ =	shalt  }
0x5d: {  	_ =	shalt  }
0x5e: {  	_ =	shalt  }
0x5f: {  	_ =	shalt  }
0x60: {  	_ =	shalt  }
0x61: {  	_ =	shalt  }
0x62: {  	_ =	shalt  }
0x63: {  	_ =	shalt  }
0x64: {  	_ =	shalt  }
0x65: {  	_ =	shalt  }
0x66: {  	_ =	shalt  }
0x67: {  	_ =	shalt  }
0x68: {  	_ =	shalt  }
0x69: {  	_ =	shalt  }
0x6a: {  	_ =	shalt  }
0x6b: {  	_ =	shalt  }
0x6c: {  	_ =	shalt  }
0x6d: {  	_ =	shalt  }
0x6e: {  	_ =	shalt  }
0x6f: {  	_ =	shalt  }
0x70: {  	_ =	shalt  }
0x71: {  	_ =	shalt  }
0x72: {  	_ =	shalt  }
0x73: {  	_ =	shalt  }
0x74: {  	_ =	shalt  }
0x75: {  	_ =	shalt  }
0x76: {  	_ =	shalt  }
0x77: {  	_ =	shalt  }
0x78: {  	_ =	shalt  }
0x79: {  	_ =	shalt  }
0x7a: {  	_ =	shalt  }
0x7b: {  	_ =	shalt  }
0x7c: {  	_ =	shalt  }
0x7d: {  	_ =	shalt  }
0x7e: {  	_ =	shalt  }
0x7f: {  	_ =	shalt  }
0x80: {  	_ =	shalt  }
0x81: {  	_ =	shalt  }
0x82: {  	_ =	shalt  }
0x83: {  	_ =	shalt  }
0x84: {  	_ =	shalt  }
0x85: {  	_ =	shalt  }
0x86: {  	_ =	shalt  }
0x87: {  	_ =	shalt  }
.Lfunc_end0:
.L_simem_size_0:
called_computation.1_lowered:
.L_overlay_start_0:
0x88: {  	s2 =	sld [smem:$0x3FD9]  }
0x89: {  	s3 =	sld [smem:$0x3FFE];
	_ =	sdelay $0x1  }
0x8a: {  	s1 =	srdreg.scid  }
0x8b: {  	s0 =	sand.u32 $0x1, s1  }
0x8c: {  	s15 =	sshll.u32 s0, $0xA;
	s2 =	sadd.s32 s3, s2  }
0x8d: {  	s2 =	sadd.s32 s2, s15  }
0x8e: {  	[smem:$0x3FC5] =	sst s2  }
0x8f: {  	_ = 	snop  }
0x90: {  	s2 =	sld [smem:$0x3FD0];
	_ =	sdelay $0x2  }
0x91: {  	s4 =	simm.s32 $0xC;
	s5 =	simm.s32 $0x10;
	s16 =	sld [smem:$0x3FC9]  }
0x92: {  	[smem:s5], [sflag:s4] =	dma.local [hbm:s2], $0x1  }
0x93: {  	_ =	swait.eq [sflag:s4], $0x1  }
0x94: {  	[sflag:s4] =	ssyncset.done $0x0  }
0x95: {  	[sflag:s4] =	ssyncadd.s32 $0xFFFFFFFF  }
0x96: {  	s17 =	sld [smem:$0x10];
	(tm) =	ssettm $0x1  }
0x97: {  	s18 =	sld [smem:$0x3FFB];
	_ =	sdelay $0x3  }
0x98: {  	_ =	strace s18  }
0x99: {  	s2 =	sld [smem:$0x3FFC];
	_ =	sdelay $0x3  }
0x9a: {  	_ =	strace s2  }
0x9b: {  	s2 =	sld [smem:$0x3FFD];
	_ =	sdelay $0x3  }
0x9c: {  	_ =	strace s2  }
0x9d: {  	_ =	strace $0x8FFFFFFF  }
0x9e: {  	s19 =	sld [smem:$0x3FDB];
	_ =	sdelay $0x1  }
0x9f: {  	s20 =	simm.s32 $_scs_section_size  }
0xa0: {  	s6 =	simm.s32 $_size__tile_overlayer_lowered;
	s7 =	simm.s32 $_tile_overlayer_lowered  }
0xa1: {  	s8 =	simm.s32 $0x1BFF;
	s21 =	sshll.u32 s7, $0x1;
	s5 =	sadd.s32 s20, s19  }
0xa2: {  	s22 =	simm.s32 $0x0;
	s6 =	sshll.u32 s6, $0x1;
	s7 =	sadd.s32 s21, s5  }
0xa3: {  	[timem:s22], [sflag:s8] =	dma.local [hbm:s7], s6  }
0xa4: {  	_ =	swait.ge [sflag:s8], s6  }
0xa5: {  	s6 =	ssub.s32 $0x0, s6;
	[sflag:s8] =	ssyncset.done $0x0  }
0xa6: {  	[sflag:s8] =	ssyncadd.s32 s6;
	_ =	sdelay $0x1  }
0xa7: {  	s23 =	simm.s32 $0x1B8B  }
0xa8: {  	_ =	swait.ge [sflag:s23], $0x1  }
0xa9: {  	[sflag:s23] =	ssyncset.done $0x0  }
0xaa: {  	[sflag:s23] =	ssyncadd.s32 $0xFFFFFFFF  }
0xab: {  	s6 =	sld [smem:$0x0]  }
0xac: {  	s7 =	sand.u32 $0xFFFFFFFE, s1  }
0xad: {  	p0 =	sne.s32 s1, s7  }
0xae: {  	s7 =	sshll.u32 @p0 s7, $0xE  }
0xaf: {  	s7 =	sadd.s32 @p0 $0x11B8D, s7;
	s8 =	sshll.u32 @p0 s6, $0x11  }
0xb0: {  	s7 =	sor.u32 @p0 s8, s7  }
0xb1: {  	[sflag:s7] =	ssyncadd.remote.s32 @p0 $0x1;
	_ =	sdelay $0x1  }
0xb2: {  	s7 =	simm.s32 @p0 $0x1B8D  }
0xb3: {  	_ =	swait.eq @p0 [sflag:s7], $0x1  }
0xb4: {  	[sflag:s7] =	ssyncadd.s32 @p0 $0xFFFFFFFF  }
0xb5: {  	s8 =	sshll.u32 @!p0 s1, $0xE  }
0xb6: {  	s8 =	sor.u32 @!p0 $0x4000, s8;
	s7 =	simm.s32 @!p0 $0x1B8D  }
0xb7: {  	s6 =	sshll.u32 @!p0 s6, $0x11;
	s8 =	sadd.s32 @!p0 $0x11B8D, s8;
	_ =	swait.eq @!p0 [sflag:s7], $0x1  }
0xb8: {  	s6 =	sor.u32 @!p0 s6, s8;
	[sflag:s7] =	ssyncadd.s32 @!p0 $0xFFFFFFFF  }
0xb9: {  	s25 =	simm.s32 $0x1B8E;
	s24 =	sld [smem:$0x3FFE];
	[sflag:s6] =	ssyncadd.remote.s32 @!p0 $0x1  }
0xba: {  	s26 =	simm.s32 $execute0_lowered;
	[smem:$0x3FD2] =	sst s25  }
0xbb: {  	s7 =	sshll.u32 s26, $0x1;
	_ =	strace $0x80000049;
	[dreg:$0x1] =	wrdreg $0xFFFFFFFF  }
0xbc: {  	s28 =	simm.s32 $_size_execute0_lowered;
	s5 =	sadd.s32 s5, s7;
	[dreg:$0x0] =	wrdreg $0x0  }
0xbd: {  	s7 =	sshll.u32 s28, $0x1;
	[dreg:$0x2] =	wrdreg s5  }
0xbe: {  	[dreg:$0x3] =	wrdreg s7  }
0xbf: {  	[dreg:$0x4] =	wrdreg $0xC0  }
0xc0: {  	_ =	task [dreg:s22], $0x5FFFF  }
0xc1: {  	[dreg:$0x1] =	wrdreg $0xFFFFFFFF  }
0xc2: {  	[dreg:$0x0] =	wrdreg $0x60  }
0xc3: {  	[dreg:$0x2] =	wrdreg s16  }
0xc4: {  	[dreg:$0x3] =	wrdreg s17  }
0xc5: {  	[dreg:$0x4] =	wrdreg s24  }
0xc6: {  	[dreg:$0x5] =	wrdreg $0xE4000  }
0xc7: {  	[dreg:$0x6] =	wrdreg $0xA  }
0xc8: {  	_ =	task.clear_ibuf [dreg:s22], $0x7FFFF;
	_ =	strace $0x90000049  }
0xc9: {  	s29 =	simm.s32 $0xA;
	_ =	strace $0x8000004B  }
0xca: {  	_ =	swait.ge [sflag:s29], $0x1  }
0xcb: {  	[sflag:s29] =	ssyncadd.s32 $0xFFFFFFFF  }
0xcc: {  	_ =	strace $0x9000004B  }
0xcd: {  	_ =	sfence  }
0xce: {  	s30 =	sld [smem:$0x0];
	_ =	sdelay $0x2  }
0xcf: {  	s31 =	sshll.u32 s1, $0xD;
	s1 =	sshrl.u32 s1, $0x2  }
0xd0: {  	s4 =	sand.u32 $0x4000, s31;
	s1 =	sadd.s32 s1, s30  }
0xd1: {  	s0 =	sor.u32 s4, s0;
	s1 =	sshll.u32 s1, $0x11  }
0xd2: {  	s0 =	sor.u32 s1, s0  }
0xd3: {  	s0 =	sadd.s32 $0x8F2B, s0  }
0xd4: {  	[sflag:s0] =	ssyncadd.remote.s32 $0x1  }
0xd5: {  	_ =	sfence.sel $0xFFFF  }
0xd6: {  	[dreg:$0x0] =	wrdreg $0xFFFFFFFF;
	(pc) =	sbr.abs _section_cstart, $3  }
0xd7: {  	[dreg:$0x1] =	wrdreg $0xFFFFFFFF  }
0xd8: {  	_ =	task.clear_ibuf [dreg:s22], $0x2FFFF;
	_ =	strace $0x9FFFFFFF  }
0xd9: {  	(tm) =	ssettm $0x7FFFFFFF  }
tec
execute0_lowered:
.L_overlay_start_1:
0x0: {  	(tag) =	ssettag $0x1  }
0x1: {  	s1 =	rddreg [dreg:$0x0]  }
0x2: {  	s6 =	rddreg [dreg:$0x1]  }
0x3: {  	s5 =	rddreg [dreg:$0x2]  }
0x4: {  	s2 =	rddreg [dreg:$0x3]  }
0x5: {  	s0 =	rddreg [dreg:$0x4];
	s3 =	simm.s32 $0x0;
	s4 =	srdreg.scid  }
0x6: {  	s18 =	simm.s32 $0xD000;
	s19 =	simm.s32 $0x3;
	s20 =	simm.s32 $0x4000  }
0x7: {  	s21 =	simm.s32 $0x50;
	s22 =	simm.s32 $0x8000;
	s23 =	simm.s32 $0x1  }
0x8: {  	s25 =	simm.s32 $0x2;
	[smem:$0x7FF] =	sst s3;
	s7 =	sand.u32 $0x1, s4  }
0x9: {  	s26 =	simm.s32 $0x7E00;
	s4 =	stileid.u32;
	s8 =	smul.u32 $0xA0000, s7  }
0xa: {  	s9 =	sshll.u32 s4, $0xC;
	s10 =	sshll.u32 s7, $0xB;
	s11 =	smul.u32 $0xA000, s4  }
0xb: {  	_ =	strace $0x8000004A;
	s7 =	ssub.s32 $0x2, s7;
	s12 =	smul.u32 $0x28000, s4  }
0xc: {  	s24 =	sor.u32 $0x1400, s4;
	p0 =	sne.s32 s4, $0x0;
	s9 =	sor.u32 s10, s9  }
0xd: {  	s30 =	sshrl.u32 s7, $0x1;
	v0 =	vmov s24;
	s24 =	simm.s32 $0xA800;
	s10 =	sadd.s32 s9, s5  }
0xe: {  	s8 =	sadd.s32 s11, s8;
	s11 =	ssub.s32 s7, s30;
	s6 =	sadd.s32 s6, s9  }
0xf: {  	s31 =	sshrl.u32 s12, $0x2;
	s8 =	sshrl.u32 s8, $0x3;
	s7 =	sadd.s32 $0xC00, s10  }
0x10: {  	s9 =	sadd.s32 s31, s2;
	s10 =	smax.u32 s11, $0x1;
	s8 =	sadd.s32 s8, s5  }
0x11: {  	s5 =	sadd.s32 $0xA0000, s2;
	s11 =	sadd.s32 $0x1400, s9;
	s12 =	sadd.s32 $0x2800, s9  }
0x12: {  	s13 =	sadd.s32 $0x3C00, s9;
	s14 =	sadd.s32 $0x5000, s9;
	s15 =	sadd.s32 $0x6400, s9  }
0x13: {  	v1 =	vimm.f32 $0.0e+00;
	s16 =	sadd.s32 $0x7800, s9;
	s17 =	sadd.s32 $0x8C00, s9;
	s8 =	sadd.s32 $0x38C00, s8  }
.LBB2_1:
0x14: {  	s28 =	simm.s32 $0x0;
	s29 =	simm.s32 $0x200  }
.LBB2_2:
0x15: {  	p1 =	sne.s32 s29, $0x4E00;
	[tilespmem:s28+$0xD070] =	vst v1  }
0x16: {  	[tilespmem:s28+$0xD000] =	vst v1  }
0x17: {  	[tilespmem:s28+$0xD010] =	vst v1  }
.Ltmp0:
0x18: {  	[tilespmem:s28+$0xD020] =	vst v1;
	(pc) =	sbr.rel @p1 .LBB2_2-.Ltmp0, $4  }
0x19: {  	[tilespmem:s28+$0xD030] =	vst v1  }
0x1a: {  	[tilespmem:s28+$0xD040] =	vst v1  }
0x1b: {  	[tilespmem:s28+$0xD050] =	vst v1  }
0x1c: {  	[tilespmem:s28+$0xD060] =	vst v1;
	s28 =	sshra.s32 s29, $0x2;
	s29 =	sadd.s32 $0x200, s29  }
0x1d: {  	[tilespmem:s28+$0xD070] =	vst v1  }
0x1e: {  	[tilespmem:s28+$0xD000] =	vst v1  }
0x1f: {  	[tilespmem:s28+$0xD010] =	vst v1  }
0x20: {  	[tilespmem:s28+$0xD020] =	vst v1  }
0x21: {  	[tilespmem:s28+$0xD030] =	vst v1  }
0x22: {  	[tilespmem:s28+$0xD040] =	vst v1  }
0x23: {  	[tilespmem:s28+$0xD050] =	vst v1  }
0x24: {  	[tilespmem:s28+$0xD060] =	vst v1  }
0x25: {  	[spmem:s9] =	stream.linear.scatter [tilespmem:s18], [sflag:$0x3], $0x1400, $0x38;
	[tilespmem:$0x18480] =	vst v63  }
0x26: {  	_ =	swait.ge [sflag:s19], $0x1400  }
0x27: {  	[sflag:s19] =	ssyncset.done $0x0  }
0x28: {  	[sflag:s19] =	ssyncadd.s32 $0xFFFFEC00  }
0x29: {  	[spmem:s11] =	stream.linear.scatter [tilespmem:s18], [sflag:$0x3], $0x1400, $0x38;
	[tilespmem:$0x18480] =	vst v63  }
0x2a: {  	_ =	swait.ge [sflag:s19], $0x1400  }
0x2b: {  	[sflag:s19] =	ssyncset.done $0x0  }
0x2c: {  	[sflag:s19] =	ssyncadd.s32 $0xFFFFEC00  }
0x2d: {  	[spmem:s12] =	stream.linear.scatter [tilespmem:s18], [sflag:$0x3], $0x1400, $0x38;
	[tilespmem:$0x18480] =	vst v63  }
0x2e: {  	_ =	swait.ge [sflag:s19], $0x1400  }
0x2f: {  	[sflag:s19] =	ssyncset.done $0x0  }
0x30: {  	[sflag:s19] =	ssyncadd.s32 $0xFFFFEC00  }
0x31: {  	[spmem:s13] =	stream.linear.scatter [tilespmem:s18], [sflag:$0x3], $0x1400, $0x38;
	[tilespmem:$0x18480] =	vst v63  }
0x32: {  	_ =	swait.ge [sflag:s19], $0x1400  }
0x33: {  	[sflag:s19] =	ssyncset.done $0x0  }
0x34: {  	[sflag:s19] =	ssyncadd.s32 $0xFFFFEC00  }
0x35: {  	[spmem:s14] =	stream.linear.scatter [tilespmem:s18], [sflag:$0x3], $0x1400, $0x38;
	[tilespmem:$0x18480] =	vst v63  }
0x36: {  	_ =	swait.ge [sflag:s19], $0x1400  }
0x37: {  	[sflag:s19] =	ssyncset.done $0x0  }
0x38: {  	[sflag:s19] =	ssyncadd.s32 $0xFFFFEC00  }
0x39: {  	[spmem:s15] =	stream.linear.scatter [tilespmem:s18], [sflag:$0x3], $0x1400, $0x38;
	[tilespmem:$0x18480] =	vst v63  }
0x3a: {  	_ =	swait.ge [sflag:s19], $0x1400  }
0x3b: {  	[sflag:s19] =	ssyncset.done $0x0  }
0x3c: {  	[sflag:s19] =	ssyncadd.s32 $0xFFFFEC00  }
0x3d: {  	[spmem:s16] =	stream.linear.scatter [tilespmem:s18], [sflag:$0x3], $0x1400, $0x38;
	[tilespmem:$0x18480] =	vst v63  }
0x3e: {  	_ =	swait.ge [sflag:s19], $0x1400  }
0x3f: {  	[sflag:s19] =	ssyncset.done $0x0  }
0x40: {  	[sflag:s19] =	ssyncadd.s32 $0xFFFFEC00  }
0x41: {  	[spmem:s17] =	stream.linear.scatter [tilespmem:s18], [sflag:$0x3], $0x1400, $0x38;
	[tilespmem:$0x18480] =	vst v63  }
0x42: {  	_ =	swait.ge [sflag:s19], $0x1400  }
0x43: {  	[sflag:s19] =	ssyncset.done $0x0  }
0x44: {  	s28 =	simm.s32 @!p0 $0xD000;
	[sflag:s19] =	ssyncadd.s32 $0xFFFFEC00  }
0x45: {  	[spmem:s5] =	stream.linear.scatter @!p0 [tilespmem:s28], [sflag:$0x3], $0x800, $0x38;
	[tilespmem:$0x18480] =	vst v63  }
0x46: {  	s28 =	simm.s32 @!p0 $0x3  }
0x47: {  	_ =	swait.ge @!p0 [sflag:s28], $0x800  }
0x48: {  	[sflag:s28] =	ssyncset.done @!p0 $0x0  }
0x49: {  	[sflag:s28] =	ssyncadd.s32 @!p0 $0xFFFFF800;
	s28 =	simm.s32 $0x0  }
0x4a: {  	[tilespmem:s28], [sflag:$0x3] =	stream.linear.gather [hbm4b:s6+s28], $0x3E80, $0x38;
	[tilespmem:$0x18480] =	vst v63  }
0x4b: {  	_ =	swait.ge [sflag:s19], $0x3E80  }
0x4c: {  	[sflag:s19] =	ssyncset.done $0x0  }
0x4d: {  	[sflag:s19] =	ssyncadd.s32 $0xFFFFC180  }
0x4e: {  	[tilespmem:s20], [sflag:$0x3] =	stream.linear.gather [hbm4b:s7+s28], $0x3E80, $0x38;
	[tilespmem:$0x18480] =	vst v63  }
0x4f: {  	_ =	swait.ge [sflag:s19], $0x3E80  }
0x50: {  	[sflag:s19] =	ssyncset.done $0x0  }
0x51: {  	s28 =	simm.s32 $0x0;
	[sflag:s19] =	ssyncadd.s32 $0xFFFFC180  }
0x52: {  	v5 =	vld [tilespmem:s28+$0x4000]  }
0x53: {  	v4 =	vld [tilespmem:s28+$0x4010]  }
0x54: {  	v3 =	vld [tilespmem:s28+$0x4020]  }
0x55: {  	s29 =	simm.s32 $0x200;
	v2 =	vld [tilespmem:s28+$0x4030]  }
.LBB2_4:
0x56: {  	p1 =	sne.s32 s29, $0xF800;
	v6 =	vld [tilespmem:s28+$0x4040]  }
0x57: {  	vm0 =	vlt.u32 v5, $0x1400  }
0x58: {  	v5 =	vsel vm0, v5, v0;
	vm0 =	vlt.u32 v4, $0x1400  }
.Ltmp1:
0x59: {  	s30 =	sshra.s32 s29, $0x2;
	[tilespmem:s28+$0x4000] =	vst v5;
	v4 =	vsel vm0, v4, v0;
	vm0 =	vlt.u32 v3, $0x1400;
	(pc) =	sbr.rel @p1 .LBB2_4-.Ltmp1, $4  }
0x5a: {  	v5 =	vld [tilespmem:s30+$0x4000];
	[tilespmem:s28+$0x4010] =	vst v4;
	v3 =	vsel vm0, v3, v0;
	vm0 =	vlt.u32 v2, $0x1400  }
0x5b: {  	v4 =	vld [tilespmem:s30+$0x4010];
	[tilespmem:s28+$0x4020] =	vst v3;
	v2 =	vsel vm0, v2, v0;
	vm0 =	vlt.u32 v6, $0x1400  }
0x5c: {  	v3 =	vld [tilespmem:s30+$0x4020];
	[tilespmem:s28+$0x4030] =	vst v2;
	v6 =	vsel vm0, v6, v0  }
0x5d: {  	s29 =	sadd.s32 $0x200, s29;
	v2 =	vld [tilespmem:s30+$0x4030];
	[tilespmem:s28+$0x4040] =	vst v6;
	s28 =	smov.u32 s30  }
0x5e: {  	v6 =	vld [tilespmem:s28+$0x4040]  }
0x5f: {  	vm0 =	vlt.u32 v5, $0x1400  }
0x60: {  	v5 =	vsel vm0, v5, v0;
	vm12 =	vlt.u32 v4, $0x1400  }
0x61: {  	[tilespmem:s28+$0x4000] =	vst v5;
	v4 =	vsel vm12, v4, v0;
	vm13 =	vlt.u32 v3, $0x1400  }
0x62: {  	[tilespmem:s28+$0x4010] =	vst v4;
	v3 =	vsel vm13, v3, v0;
	vm14 =	vlt.u32 v2, $0x1400  }
0x63: {  	[tilespmem:s28+$0x4020] =	vst v3;
	v2 =	vsel vm14, v2, v0;
	vm15 =	vlt.u32 v6, $0x1400  }
0x64: {  	[tilespmem:s28+$0x4030] =	vst v2;
	v2 =	vsel vm15, v6, v0  }
0x65: {  	[tilespmem:s28+$0x4040] =	vst v2  }
0x66: {  	s28 =	simm.s32 $0x0;
	[bflag:$0x0] =	sbarrier.arrive $0xFFFF  }
0x67: {  	[tilespmem:s22], [sflag:$0x1] =	stream.indirect.gather [hbm4b:s1+s21], $0x80, s28, s21, $0xb8;
	[tilespmem:$0x18480] =	vst v63  }
0x68: {  	_ =	swait.ge [sflag:s23], $0x2800  }
0x69: {  	[sflag:s23] =	ssyncset.done $0x0  }
0x6a: {  	s28 =	simm.s32 $0x80;
	[sflag:s23] =	ssyncadd.s32 $0xFFFFD800  }
0x6b: {  	[tilespmem:s24], [sflag:$0x2] =	stream.indirect.gather [hbm4b:s1+s21], $0x80, s28, s21, $0xb8;
	[tilespmem:$0x18480] =	vst v63  }
0x6c: {  	s28 =	simm.s32 $0x4000  }
0x6d: {  	[spmem:s2] =	stream.indirect.scatter.add.f32 [tilespmem:s22], [sflag:$0x3], $0x80, s28, s21, $0xb8;
	[tilespmem:$0x18480] =	vst v63  }
0x6e: {  	_ =	swait.ge [sflag:s19], $0x2800  }
0x6f: {  	[sflag:s19] =	ssyncset.done $0x0  }
0x70: {  	[sflag:s19] =	ssyncadd.s32 $0xFFFFD800  }
0x71: {  	_ =	swait.ge [sflag:s25], $0x2800  }
0x72: {  	[sflag:s25] =	ssyncset.done $0x0  }
0x73: {  	s28 =	simm.s32 $0x100;
	[sflag:s25] =	ssyncadd.s32 $0xFFFFD800  }
0x74: {  	[tilespmem:s22], [sflag:$0x1] =	stream.indirect.gather [hbm4b:s1+s21], $0x80, s28, s21, $0xb8;
	[tilespmem:$0x18480] =	vst v63  }
0x75: {  	s28 =	simm.s32 $0x4080  }
0x76: {  	[spmem:s2] =	stream.indirect.scatter.add.f32 [tilespmem:s24], [sflag:$0x3], $0x80, s28, s21, $0xb8;
	[tilespmem:$0x18480] =	vst v63  }
0x77: {  	_ =	swait.ge [sflag:s19], $0x2800  }
0x78: {  	s28 =	simm.s32 $0x400;
	[sflag:s19] =	ssyncset.done $0x0  }
.LBB2_6:
0x79: {  	p1 =	sne.s32 s28, $0xF400  }
0x7a: {  	[sflag:s19] =	ssyncadd.s32 $0xFFFFD800;
	s29 =	smov.u32 s28;
	s28 =	sadd.s32 $0x400, s28  }
0x7b: {  	_ = 	snop  }
0x7c: {  	_ =	swait.ge [sflag:s23], $0x2800  }
0x7d: {  	s29 =	sshra.s32 s29, $0x2;
	[sflag:s23] =	ssyncset.done $0x0  }
0x7e: {  	s30 =	sadd.s32 $0x80, s29;
	[sflag:s23] =	ssyncadd.s32 $0xFFFFD800  }
0x7f: {  	[tilespmem:s24], [sflag:$0x2] =	stream.indirect.gather [hbm4b:s1+s21], $0x80, s30, s21, $0xb8;
	[tilespmem:$0x18480] =	vst v63  }
0x80: {  	s30 =	sadd.s32 $0x4000, s29  }
0x81: {  	[spmem:s2] =	stream.indirect.scatter.add.f32 [tilespmem:s22], [sflag:$0x3], $0x80, s30, s21, $0xb8;
	[tilespmem:$0x18480] =	vst v63  }
0x82: {  	_ =	swait.ge [sflag:s19], $0x2800  }
0x83: {  	[sflag:s19] =	ssyncset.done $0x0  }
0x84: {  	[sflag:s19] =	ssyncadd.s32 $0xFFFFD800  }
0x85: {  	_ =	swait.ge [sflag:s25], $0x2800  }
0x86: {  	[sflag:s25] =	ssyncset.done $0x0  }
0x87: {  	s30 =	sadd.s32 $0x100, s29;
	[sflag:s25] =	ssyncadd.s32 $0xFFFFD800  }
0x88: {  	[tilespmem:s22], [sflag:$0x1] =	stream.indirect.gather [hbm4b:s1+s21], $0x80, s30, s21, $0xb8;
	[tilespmem:$0x18480] =	vst v63  }
.Ltmp2:
0x89: {  	_ = 	snop;
	(pc) =	sbr.rel @p1 .LBB2_6-.Ltmp2, $4  }
0x8a: {  	s29 =	sadd.s32 $0x4080, s29  }
0x8b: {  	[spmem:s2] =	stream.indirect.scatter.add.f32 [tilespmem:s24], [sflag:$0x3], $0x80, s29, s21, $0xb8;
	[tilespmem:$0x18480] =	vst v63  }
0x8c: {  	_ =	swait.ge [sflag:s19], $0x2800  }
0x8d: {  	[sflag:s19] =	ssyncset.done $0x0  }
0x8e: {  	[sflag:s19] =	ssyncadd.s32 $0xFFFFD800  }
0x8f: {  	_ =	swait.ge [sflag:s23], $0x2800  }
0x90: {  	[sflag:s23] =	ssyncset.done $0x0  }
0x91: {  	[sflag:s23] =	ssyncadd.s32 $0xFFFFD800  }
0x92: {  	[spmem:s2] =	stream.indirect.scatter.add.f32 [tilespmem:s22], [sflag:$0x3], $0x80, s26, s21, $0xb8;
	[tilespmem:$0x18480] =	vst v63  }
0x93: {  	_ =	swait.ge [sflag:s19], $0x2800  }
0x94: {  	s28 =	sshll.u32 s4, $0x6;
	s3 =	sadd.s32 $0x1, s3;
	[sflag:s19] =	ssyncset.done $0x0  }
0x95: {  	s29 =	sshrl.u32 s9, $0x3;
	p1 =	sne.s32 s3, s10;
	[sflag:s19] =	ssyncadd.s32 $0xFFFFD800  }
.Ltmp3:
0x96: {  	s28 =	sor.u32 $0x1C03, s28;
	[bflag:$0x0] =	sbarrier.arrive $0xFFFF;
	(pc) =	sbr.rel @p1 .LBB2_1-.Ltmp3, $4  }
0x97: {  	[hbm:s8], [sflag:s28] =	dma.local [spmem:s29], $0x1400  }
0x98: {  	_ =	swait.ge [sflag:s19], $0x1400  }
0x99: {  	[sflag:s19] =	ssyncset.done $0x0  }
0x9a: {  	[sflag:s19] =	ssyncadd.s32 $0xFFFFEC00  }
0x9b: {  	_ =	sfence.sel $0x180000  }
0x9c: {  	[bflag:$0x0] =	sbarrier.arrive $0xFFFF  }
0x9d: {  	_ =	strace $0x9000004A  }
0x9e: {  	s0 =	sadd.s32 @!p0 $0x100000, s0;
	[bflag:$0x2] =	sbarrier.arrive $0xFFFF  }
0x9f: {  	[sflag:s0] =	ssyncadd.tile.s32 @!p0 $0x1;
	_ =	shalt  }
.Lfunc_end2:
_tile_overlayer_lowered:
.L_overlay_start_2:
0xa0: {  	(tag) =	ssettag $0x2  }
0xa1: {  	s0 =	rddreg [dreg:$0x0];
	s2 =	stileid.u32  }
0xa2: {  	s1 =	rddreg [dreg:$0x1];
	p0 =	sne.s32 s2, $0x0  }
0xa3: {  	s3 =	rddreg [dreg:$0x2];
	[bflag:$0x3] =	sbarrier.arrive $0xFFFF;
	s2 =	simm.s32 @!p0 $0x1C03  }
0xa4: {  	[timem:s3], [sflag:s2] =	dma.local @!p0 [hbm:s0], s1  }
0xa5: {  	s0 =	simm.s32 @!p0 $0x3  }
0xa6: {  	_ =	swait.ge @!p0 [sflag:s0], s1  }
0xa7: {  	s1 =	ssub.s32 @!p0 $0x0, s1;
	[sflag:s0] =	ssyncset.done @!p0 $0x0  }
0xa8: {  	[sflag:s0] =	ssyncadd.s32 @!p0 s1  }
0xa9: {  	[bflag:$0x3] =	sbarrier.arrive $0xFFFF  }
0xaa: {  	_ =	shalt  }

</sc_bundles>
